<compile_context>
chip_gen: v7x
topology: tpu7x:2x2x1
jax: 0.10.2.dev20260603
libtpu: 0.0.44.dev20260713+nightly
codegen_flags: <defaults>
</compile_context>

<pallas_src>
import functools

import jax
import jax.numpy as jnp
import numpy as np
from jax import lax
from jax.experimental import pallas as pl
from jax.experimental.pallas import tpu as pltpu
from jax.experimental.pallas import tpu_sc as plsc

N = 10000
E = 320000
HEADS = 8
OPH = 16
LAYERS = 2
HOPS = 2
DECAY = [float(np.exp(-0.5 * k)) for k in range(HOPS)]

NC, NS, LANES = 2, 16, 16
NW = NC * NS
NP = 10240
NSL = NP // NS
TE = E // NW

_MESH = plsc.VectorSubcoreMesh(
    core_axis_name="c", subcore_axis_name="s", num_cores=NC, num_subcores=NS)

_IOTA16 = lambda: lax.iota(jnp.int32, 16)


def _vgather(v, idx):
    return lax.gather(
        v, idx[:, None],
        lax.GatherDimensionNumbers(
            offset_dims=(), collapsed_slice_dims=(0,), start_index_map=(0,)),
        (1,), mode=lax.GatherScatterMode.PROMISE_IN_BOUNDS)


def _nbr_body(src_hbm, dst_hbm, out_hbm, src_v, dst_v, tbl_v, blk_v, acc_v, shr):
    c = lax.axis_index("c")
    s = lax.axis_index("s")
    wid = s * NC + c
    pltpu.sync_copy(src_hbm.at[pl.ds(wid * TE, TE)], src_v)
    pltpu.sync_copy(dst_hbm.at[pl.ds(wid * TE, TE)], dst_v)

    def zbody(i, _):
        tbl_v[pl.ds(i * 16, 16)] = jnp.zeros((16,), jnp.int32)
        return 0
    lax.fori_loop(0, NP // 16, zbody, 0)

    iot = _IOTA16()

    def ebody(i, _):
        sv = src_v[pl.ds(i * 16, 16)]
        dv = dst_v[pl.ds(i * 16, 16)]
        ks, _ = plsc.sort_key_val(sv * 16384 + dv, dv)
        ss = lax.shift_right_logical(ks, 14)
        dd = jnp.bitwise_and(ks, 16383)
        nxt = _vgather(ss, jnp.minimum(iot + 1, 15))
        is_end = jnp.logical_or(ss != nxt, iot == 15)
        old = plsc.load_gather(tbl_v, [ss], mask=is_end)
        plsc.store_scatter(tbl_v, [ss], jnp.maximum(old, dd), mask=is_end)
        return 0
    lax.fori_loop(0, TE // 16, ebody, 0)

    pltpu.sync_copy(tbl_v, shr.at[s])
    plsc.subcore_barrier()
    for r in range(NS):
        pltpu.sync_copy(shr.at[r, pl.ds(s * NSL, NSL)],
                        blk_v.at[pl.ds(r * NSL, NSL)])

    def cbody(j, _):
        m = blk_v[pl.ds(j * 16, 16)]
        for r in range(1, NS):
            m = jnp.maximum(m, blk_v[pl.ds(r * NSL + j * 16, 16)])
        acc_v[pl.ds(j * 16, 16)] = m
        return 0
    lax.fori_loop(0, NSL // 16, cbody, 0)
    pltpu.sync_copy(acc_v, out_hbm.at[c, pl.ds(s * NSL, NSL)])


@jax.jit
def _nbr_partials(src, dst):
    return pl.kernel(
        _nbr_body,
        out_type=jax.ShapeDtypeStruct((NC, NP), jnp.int32),
        mesh=_MESH,
        compiler_params=pltpu.CompilerParams(needs_layout_passes=False),
        scratch_types=[
            pltpu.VMEM((TE,), jnp.int32),
            pltpu.VMEM((TE,), jnp.int32),
            pltpu.VMEM((NP,), jnp.int32),
            pltpu.VMEM((NS * NSL,), jnp.int32),
            pltpu.VMEM((NSL,), jnp.int32),
            pltpu.VMEM_SHARED((NS, NP), jnp.int32),
        ],
    )(src, dst)


def _dst1_body(dst_hbm, nbr_hbm, out_hbm, dst_v, t0_v, t1_v, o_v):
    c = lax.axis_index("c")
    s = lax.axis_index("s")
    wid = s * NC + c
    pltpu.sync_copy(dst_hbm.at[pl.ds(wid * TE, TE)], dst_v)
    pltpu.sync_copy(nbr_hbm.at[0], t0_v)
    pltpu.sync_copy(nbr_hbm.at[1], t1_v)

    def mb(j, _):
        t0_v[pl.ds(j * 16, 16)] = jnp.maximum(
            t0_v[pl.ds(j * 16, 16)], t1_v[pl.ds(j * 16, 16)])
        return 0
    lax.fori_loop(0, NP // 16, mb, 0)

    def eb(i, _):
        dv = dst_v[pl.ds(i * 16, 16)]
        o_v[pl.ds(i * 16, 16)] = plsc.load_gather(t0_v, [dv])
        return 0
    lax.fori_loop(0, TE // 16, eb, 0)
    pltpu.sync_copy(o_v, out_hbm.at[pl.ds(wid * TE, TE)])


@jax.jit
def _dst1_compute(dst, nbr_p):
    return pl.kernel(
        _dst1_body,
        out_type=jax.ShapeDtypeStruct((E,), jnp.int32),
        mesh=_MESH,
        compiler_params=pltpu.CompilerParams(needs_layout_passes=False),
        scratch_types=[
            pltpu.VMEM((TE,), jnp.int32),
            pltpu.VMEM((NP,), jnp.int32),
            pltpu.VMEM((NP,), jnp.int32),
            pltpu.VMEM((TE,), jnp.int32),
        ],
    )(dst, nbr_p)


def _lrelu(v, s):
    return jnp.where(v >= 0, v, s * v)


def _stage0_body(x_ref, w_ref, b_ref, o_ref):
    h = jnp.dot(x_ref[...], w_ref[...], preferred_element_type=jnp.float32) + b_ref[...]
    o_ref[...] = _lrelu(h, 0.01)


def _stage0(x, W1, b1):
    B = 400
    return pl.pallas_call(
        _stage0_body,
        grid=(N // B,),
        in_specs=[
            pl.BlockSpec((B, 128), lambda i: (i, 0)),
            pl.BlockSpec((128, 128), lambda i: (0, 0)),
            pl.BlockSpec((1, 128), lambda i: (0, 0)),
        ],
        out_specs=pl.BlockSpec((B, 128), lambda i: (i, 0)),
        out_shape=jax.ShapeDtypeStruct((N, 128), jnp.float32),
    )(x, W1, b1.reshape(1, 128))


E2 = E + N
EPAD = 330240
TEP = EPAD // NW
CA = 344


NCHA = TEP // CA


def _pass_a_body(srcp_hbm, dst0_hbm, dst1_hbm, hsd0_hbm, hsd1_hbm, z8_hbm,
                 ex0_hbm, ex1_hbm, den_hbm,
                 src2, dst2, rows_s, rows_d, ex_b,
                 den_sp0, den_sp1, semS, semD):
    c = lax.axis_index("c")
    s = lax.axis_index("s")
    wid = s * NC + c
    iot = _IOTA16()

    pltpu.sync_copy(srcp_hbm.at[wid], src2)
    pltpu.sync_copy(z8_hbm.at[pl.ds(s * NSL, NSL)], den_sp0.at[pl.ds(s * NSL, NSL)])
    pltpu.sync_copy(z8_hbm.at[pl.ds(s * NSL, NSL)], den_sp1.at[pl.ds(s * NSL, NSL)])
    pltpu.sync_copy(z8_hbm.at[pl.ds(0, CA), :], ex_b[0])
    pltpu.sync_copy(z8_hbm.at[pl.ds(0, CA), :], ex_b[1])
    plsc.subcore_barrier()

    def row16(ref, r):
        return plsc.load_gather(ref, [jnp.full((16,), r, jnp.int32), iot])

    cols8 = jnp.bitwise_and(iot, 7)
    sh = jnp.bitwise_and(iot + 8, 15)

    for k in range(HOPS):
        dst_hbm = dst0_hbm if k == 0 else dst1_hbm
        hsd_hbm = hsd0_hbm if k == 0 else hsd1_hbm
        ex_hbm = ex0_hbm if k == 0 else ex1_hbm
        den_sp = den_sp0 if k == 0 else den_sp1

        pltpu.sync_copy(dst_hbm.at[wid], dst2)

        def issue(i, b):
            pltpu.async_copy(hsd_hbm.at[src2.at[i]], rows_s[b], semS[b])
            pltpu.async_copy(hsd_hbm.at[dst2.at[i]], rows_d[b], semD[b])

        def wait(i, b):
            pltpu.make_async_copy(hsd_hbm.at[src2.at[i]], rows_s[b], semS[b]).wait()
            pltpu.make_async_copy(hsd_hbm.at[dst2.at[i]], rows_d[b], semD[b]).wait()

        def compute(i, b):
            base = wid * TEP + i * CA

            def ebody(e, _):
                e2 = 2 * e
                for q in range(2):
                    av = rows_s[b][e2 + q, :]
                    bv = rows_d[b][e2 + q, :]
                    v = av + _vgather(bv, sh)
                    v = jnp.where(v >= 0, v, 0.2 * v)
                    exv = jnp.exp(v)
                    keep = jnp.logical_and(iot < 8, base + e2 + q < E2)
                    ex_b[b][e2 + q, :] = jnp.where(keep, exv, 0.0)
                return 0
            lax.fori_loop(0, CA // 2, ebody, 0)

            pltpu.sync_copy(ex_b[b], den_sp.at[dst2.at[i]], add=True)
            pltpu.sync_copy(ex_b[b], ex_hbm.at[pl.ds(base, CA), :])

        issue(0, 0)

        def pair(j2, _):
            i0 = 2 * j2
            wait(i0, 0)
            issue(i0 + 1, 1)
            compute(i0, 0)
            wait(i0 + 1, 1)

            @pl.when(j2 < NCHA // 2 - 1)
            def _():
                issue(i0 + 2, 0)
            compute(i0 + 1, 1)
            return 0
        lax.fori_loop(0, NCHA // 2, pair, 0)

    plsc.subcore_barrier()
    pltpu.sync_copy(den_sp0.at[pl.ds(s * NSL, NSL)],
                    den_hbm.at[0, c, pl.ds(s * NSL, NSL), :])
    pltpu.sync_copy(den_sp1.at[pl.ds(s * NSL, NSL)],
                    den_hbm.at[1, c, pl.ds(s * NSL, NSL), :])


def _pass_a(srcp_a, dstp_a0, dstp_a1, hsd0, hsd1, z8):
    buf2 = lambda shape, dt: [pltpu.VMEM(shape, dt), pltpu.VMEM(shape, dt)]
    sem2 = lambda: [pltpu.SemaphoreType.DMA, pltpu.SemaphoreType.DMA]
    return pl.kernel(
        _pass_a_body,
        out_type=[
            jax.ShapeDtypeStruct((EPAD, 16), jnp.float32),
            jax.ShapeDtypeStruct((EPAD, 16), jnp.float32),
            jax.ShapeDtypeStruct((HOPS, NC, NP, 16), jnp.float32),
        ],
        mesh=_MESH,
        compiler_params=pltpu.CompilerParams(
            needs_layout_passes=False, use_tc_tiling_on_sc=False),
        scratch_types=[
            pltpu.VMEM((NCHA, CA), jnp.int32),
            pltpu.VMEM((NCHA, CA), jnp.int32),
            buf2((CA, 16), jnp.float32),
            buf2((CA, 16), jnp.float32),
            buf2((CA, 16), jnp.float32),
            pltpu.VMEM_SHARED((NP, 16), jnp.float32),
            pltpu.VMEM_SHARED((NP, 16), jnp.float32),
            sem2(), sem2(),
        ],
    )(srcp_a, dstp_a0, dstp_a1, hsd0, hsd1, z8)


CB = 344
TEP2 = EPAD // NS


NCHB = TEP2 // CB
GCH = 10
NG = NCHB // GCH


def _pass_b_body(srcp_hbm, dstp_hbm, ex_hbm, den_hbm,
                 hwa_hbm, hwb_hbm, z64_hbm,
                 out_hbm,
                 gsrc, gdst, ex_v, d_v, msg_v,
                 out_sp, semE, semD, semM):
    c = lax.axis_index("c")
    s = lax.axis_index("s")
    iot = _IOTA16()

    pltpu.sync_copy(srcp_hbm.at[s, pl.ds(0, GCH)], gsrc[0])
    pltpu.sync_copy(dstp_hbm.at[s, pl.ds(0, GCH)], gdst[0])
    pltpu.sync_copy(z64_hbm.at[pl.ds(s * NSL, NSL)], out_sp.at[pl.ds(s * NSL, NSL)])
    plsc.subcore_barrier()

    hoff = c * 4
    cols4 = hoff + jnp.bitwise_and(iot, 3)
    lane_e = lax.shift_right_logical(iot, 2)

    def issue(i, row, b, gb):
        base = s * TEP2 + i * CB
        pltpu.async_copy(ex_hbm.at[pl.ds(base, CB), :], ex_v[b], semE[b])
        pltpu.async_copy(den_hbm.at[gdst[gb].at[row]], d_v[b], semD[b])

        @pl.when(c == 0)
        def _():
            pltpu.async_copy(hwa_hbm.at[gsrc[gb].at[row]], msg_v[b], semM[b])

        @pl.when(c == 1)
        def _():
            pltpu.async_copy(hwb_hbm.at[gsrc[gb].at[row]], msg_v[b], semM[b])

    def wait(i, row, b, gb):
        base = s * TEP2 + i * CB
        pltpu.make_async_copy(ex_hbm.at[pl.ds(base, CB), :], ex_v[b], semE[b]).wait()
        pltpu.make_async_copy(den_hbm.at[gdst[gb].at[row]], d_v[b], semD[b]).wait()
        pltpu.make_async_copy(hwa_hbm.at[gsrc[gb].at[row]], msg_v[b], semM[b]).wait()

    def compute(row, b, gb):
        def ebody(e, _):
            e4 = 4 * e
            rows16 = e4 + lane_e
            exv = plsc.load_gather(ex_v[b], [rows16, cols4])
            dn = plsc.load_gather(d_v[b], [rows16, cols4])
            alpha = exv / (dn + 1e-16)
            for q in range(4):
                for h in range(4):
                    a = _vgather(alpha, jnp.full((16,), 4 * q + h, jnp.int32))
                    r = msg_v[b][e4 + q, pl.ds(h * 16, 16)]
                    msg_v[b][e4 + q, pl.ds(h * 16, 16)] = r * a
            return 0
        lax.fori_loop(0, CB // 4, ebody, 0)
        pltpu.sync_copy(msg_v[b], out_sp.at[gdst[gb].at[row]], add=True)

    issue(0, 0, 0, 0)

    def group(g, gb):
        @pl.when(g + 1 < NG)
        def _():
            pltpu.sync_copy(srcp_hbm.at[s, pl.ds((g + 1) * GCH, GCH)], gsrc[1 - gb])
            pltpu.sync_copy(dstp_hbm.at[s, pl.ds((g + 1) * GCH, GCH)], gdst[1 - gb])

        def pair(j2, _):
            r0 = 2 * j2
            i0 = g * GCH + r0
            wait(i0, r0, 0, gb)
            issue(i0 + 1, r0 + 1, 1, gb)
            compute(r0, 0, gb)
            wait(i0 + 1, r0 + 1, 1, gb)

            @pl.when(j2 < GCH // 2 - 1)
            def _():
                issue(i0 + 2, r0 + 2, 0, gb)
            compute(r0 + 1, 1, gb)
            return 0
        lax.fori_loop(0, GCH // 2, pair, 0)

        @pl.when(g + 1 < NG)
        def _():
            issue((g + 1) * GCH, 0, 0, 1 - gb)

    def gpair(gp, _):
        group(2 * gp, 0)
        group(2 * gp + 1, 1)
        return 0
    lax.fori_loop(0, NG // 2, gpair, 0)

    plsc.subcore_barrier()
    pltpu.sync_copy(out_sp.at[pl.ds(s * NSL, NSL)],
                    out_hbm.at[c, pl.ds(s * NSL, NSL), :])


def _pass_b(srcp_r, dstp_r, exk, dsum, hwa, hwb, z64):
    buf2 = lambda shape, dt: [pltpu.VMEM(shape, dt), pltpu.VMEM(shape, dt)]
    sem2 = lambda: [pltpu.SemaphoreType.DMA, pltpu.SemaphoreType.DMA]
    return pl.kernel(
        _pass_b_body,
        out_type=jax.ShapeDtypeStruct((NC, NP, 64), jnp.float32),
        mesh=_MESH,
        compiler_params=pltpu.CompilerParams(
            needs_layout_passes=False, use_tc_tiling_on_sc=False),
        scratch_types=[
            buf2((GCH, CB), jnp.int32),
            buf2((GCH, CB), jnp.int32),
            buf2((CB, 16), jnp.float32),
            buf2((CB, 16), jnp.float32),
            buf2((CB, 64), jnp.float32),
            pltpu.VMEM_SHARED((NP, 64), jnp.float32),
            sem2(), sem2(), sem2(),
        ],
    )(srcp_r, dstp_r, exk, dsum, hwa, hwb, z64)


def _densum_body(d_ref, o_ref):
    o_ref[0] = d_ref[0, 0] + d_ref[0, 1]


def _densum(den):
    return pl.pallas_call(
        _densum_body,
        grid=(HOPS, NP // 640),
        in_specs=[pl.BlockSpec((1, NC, 640, 16), lambda k, i: (k, 0, i, 0))],
        out_specs=pl.BlockSpec((1, 640, 16), lambda k, i: (k, i, 0)),
        out_shape=jax.ShapeDtypeStruct((HOPS, NP, 16), jnp.float32),
    )(den)


_BT = 400


def _proj_body(h_ref, w_ref, asd_ref, hwa_ref, hwb_ref, hsd_ref):
    h = h_ref[...]
    hw = jnp.dot(h, w_ref[0], preferred_element_type=jnp.float32)
    hwa_ref[0] = hw[:, :64]
    hwb_ref[0] = hw[:, 64:]
    h3 = hw.reshape(_BT, HEADS, OPH)
    hs = (h3 * asd_ref[0, 0]).sum(-1)
    hd = (h3 * asd_ref[0, 1]).sum(-1)
    hsd_ref[0] = jnp.concatenate([hs, hd], axis=1)


def _proj(h, Wl, asl, adl):
    asd = jnp.stack([asl, adl], axis=1)
    return pl.pallas_call(
        _proj_body,
        grid=(HOPS, N // _BT),
        in_specs=[
            pl.BlockSpec((_BT, 128), lambda k, i: (i, 0)),
            pl.BlockSpec((1, 128, 128), lambda k, i: (k, 0, 0)),
            pl.BlockSpec((1, 2, HEADS, OPH), lambda k, i: (k, 0, 0, 0)),
        ],
        out_specs=[
            pl.BlockSpec((1, _BT, 64), lambda k, i: (k, i, 0)),
            pl.BlockSpec((1, _BT, 64), lambda k, i: (k, i, 0)),
            pl.BlockSpec((1, _BT, 16), lambda k, i: (k, i, 0)),
        ],
        out_shape=[
            jax.ShapeDtypeStruct((HOPS, N, 64), jnp.float32),
            jax.ShapeDtypeStruct((HOPS, N, 64), jnp.float32),
            jax.ShapeDtypeStruct((HOPS, N, 16), jnp.float32),
        ],
    )(h, Wl, asd)


def _dec_body(g0a_ref, g0b_ref, g1a_ref, g1b_ref, gb_ref, dw_ref, db_ref,
              lg_ref, lb_ref, res_ref, o_ref):
    x0 = jnp.concatenate([g0a_ref[0], g0b_ref[0]], axis=1) + gb_ref[0]
    x1 = jnp.concatenate([g1a_ref[0], g1b_ref[0]], axis=1) + gb_ref[1]
    x0 = jnp.dot(x0, dw_ref[0], preferred_element_type=jnp.float32) + db_ref[0]
    x1 = jnp.dot(x1, dw_ref[1], preferred_element_type=jnp.float32) + db_ref[1]
    acc = DECAY[0] * _lrelu(x0, 0.01) + DECAY[1] * _lrelu(x1, 0.01)
    mu = acc.mean(axis=-1, keepdims=True)
    var = ((acc - mu) ** 2).mean(axis=-1, keepdims=True)
    xl = (acc - mu) / jnp.sqrt(var + 1e-5) * lg_ref[...] + lb_ref[...]
    o_ref[...] = xl + res_ref[...]


def _decode(g0, g1, gbl, dwl, dbl, lgl, lbl, res):
    blk64 = lambda c: pl.BlockSpec((1, _BT, 64), lambda i, c=c: (c, i, 0))
    return pl.pallas_call(
        _dec_body,
        grid=(N // _BT,),
        in_specs=[
            blk64(0), blk64(1), blk64(0), blk64(1),
            pl.BlockSpec((2, 128), lambda i: (0, 0)),
            pl.BlockSpec((2, 128, 128), lambda i: (0, 0, 0)),
            pl.BlockSpec((2, 128), lambda i: (0, 0)),
            pl.BlockSpec((1, 128), lambda i: (0, 0)),
            pl.BlockSpec((1, 128), lambda i: (0, 0)),
            pl.BlockSpec((_BT, 128), lambda i: (i, 0)),
        ],
        out_specs=pl.BlockSpec((_BT, 128), lambda i: (i, 0)),
        out_shape=jax.ShapeDtypeStruct((N, 128), jnp.float32),
    )(g0, g0, g1, g1, gbl, dwl, dbl, lgl.reshape(1, 128), lbl.reshape(1, 128), res)


def kernel(x, edge_index, edge_type, genre, genre_mask, W1, b1, gat_W, att_src, att_dst, gat_b, dec_W, dec_b, ln_g, ln_b):
    src0, dst0 = edge_index[0], edge_index[1]
    nbr_p = _nbr_partials(src0, dst0)
    dst1 = _dst1_compute(dst0, nbr_p)
    loop = jnp.arange(N, dtype=edge_index.dtype)
    pad = jnp.zeros((EPAD - E2,), jnp.int32)
    srcp = jnp.concatenate([src0, loop, pad])
    dstp = [jnp.concatenate([dst0, loop, pad]), jnp.concatenate([dst1, loop, pad])]
    z8 = jnp.zeros((NP, 16), jnp.float32)
    z64 = jnp.zeros((NP, 64), jnp.float32)
    srcp_r = srcp.reshape(NS, NCHB, CB)
    dstp_r = [d.reshape(NS, NCHB, CB) for d in dstp]
    srcp_a = srcp.reshape(NW, NCHA, CA)
    dstp_a = [d.reshape(NW, NCHA, CA) for d in dstp]

    h = _stage0(x, W1, b1)
    residual = h
    for l in range(LAYERS):
        hwa, hwb, hsd = _proj(h, gat_W[l], att_src[l], att_dst[l])
        ex0, ex1, den = _pass_a(srcp_a, dstp_a[0], dstp_a[1], hsd[0], hsd[1], z8)
        exs = [ex0, ex1]
        dsum = _densum(den)
        g = [
            _pass_b(srcp_r, dstp_r[k], exs[k], dsum[k],
                    hwa[k], hwb[k], z64)
            for k in range(HOPS)
        ]
        h = _decode(g[0], g[1], gat_b[l], dec_W[l], dec_b[l],
                    ln_g[l], ln_b[l], residual)
        residual = h
    return h

# --- scband reference (transcript-rebuilt; emitter-appended) ---
"""Pipeline reference for scband-gat-kh-18013092839768 (READ-ONLY COPY).

The authoritative reference and input builder live on the scoring server;
editing this copy changes nothing except your own understanding.
"""

import jax, jax.numpy as jnp
import numpy as np

N = 10000
E = 320000
D_IN = 128
HID = 128
OUT = 128
HEADS = 8
OPH = HID // HEADS
LAYERS = 2
HOPS = 2
DECAY = [float(np.exp(-0.5 * k)) for k in range(HOPS)]


def setup_inputs(seed: int = 0):
    key = jax.random.key(seed)
    ks = jax.random.split(key, 12)
    x = jax.random.normal(ks[0], (N, D_IN), dtype=jnp.float32)
    edge_index = jax.random.randint(ks[1], (2, E), 0, N, dtype=jnp.int32)
    edge_type = jax.random.randint(ks[2], (E,), 0, 4, dtype=jnp.int32)
    genre = jax.random.normal(ks[3], (N, 8), dtype=jnp.float32)
    genre_mask = jnp.ones((N,), dtype=bool)
    W1 = jax.random.normal(ks[4], (D_IN, HID), dtype=jnp.float32) * 0.05
    b1 = jnp.zeros((HID,), dtype=jnp.float32)
    gat_W = jax.random.normal(ks[5], (LAYERS, HOPS, HID, HID), dtype=jnp.float32) * 0.05
    att_src = jax.random.normal(ks[6], (LAYERS, HOPS, HEADS, OPH), dtype=jnp.float32) * 0.05
    att_dst = jax.random.normal(ks[7], (LAYERS, HOPS, HEADS, OPH), dtype=jnp.float32) * 0.05
    gat_b = jnp.zeros((LAYERS, HOPS, HID), dtype=jnp.float32)
    dec_W = jax.random.normal(ks[8], (LAYERS, HOPS, HID, OUT), dtype=jnp.float32) * 0.05
    dec_b = jnp.zeros((LAYERS, HOPS, OUT), dtype=jnp.float32)
    ln_g = jnp.ones((LAYERS, OUT), dtype=jnp.float32)
    ln_b = jnp.zeros((LAYERS, OUT), dtype=jnp.float32)
    return {"x": x, "edge_index": edge_index, "edge_type": edge_type, "genre": genre, "genre_mask": genre_mask, "W1": W1, "b1": b1, "gat_W": gat_W, "att_src": att_src, "att_dst": att_dst, "gat_b": gat_b, "dec_W": dec_W, "dec_b": dec_b, "ln_g": ln_g, "ln_b": ln_b}


def _lrelu(v, s):
    return jnp.where(v >= 0, v, s * v)


def _k_hop(edge_index, num_nodes, k):
    src, dst = edge_index[0], edge_index[1]
    nbr = jnp.zeros((num_nodes,), dtype=edge_index.dtype).at[src].max(dst)
    hops = [(src, dst)]
    cur = dst
    for _ in range(k - 1):
        cur = nbr[cur]
        hops.append((src, cur))
    return hops


def _gat_conv(h_in, src, dst, W, a_s, a_d, b, num_nodes):
    h = (h_in @ W).reshape(num_nodes, HEADS, OPH)
    e = (h * a_s).sum(-1)[src] + (h * a_d).sum(-1)[dst]
    e = _lrelu(e, 0.2)
    m = jax.ops.segment_max(e, dst, num_segments=num_nodes)
    ex = jnp.exp(e - m[dst])
    den = jax.ops.segment_sum(ex, dst, num_segments=num_nodes)
    alpha = ex / (den[dst] + 1e-16)
    out = jax.ops.segment_sum(h[src] * alpha[..., None], dst, num_segments=num_nodes)
    return out.reshape(num_nodes, HEADS * OPH) + b


def _forward(x, edge_index, W1, b1, gat_W, att_src, att_dst, gat_b, dec_W, dec_b, ln_g, ln_b):
    hops = _k_hop(edge_index, N, HOPS)
    loop = jnp.arange(N, dtype=edge_index.dtype)
    h = _lrelu(x @ W1 + b1, 0.01)
    residual = h
    for l in range(LAYERS):
        acc = jnp.zeros((N, OUT), dtype=jnp.float32)
        for k in range(HOPS):
            src = jnp.concatenate([hops[k][0], loop])
            dst = jnp.concatenate([hops[k][1], loop])
            xk = _gat_conv(h, src, dst, gat_W[l, k], att_src[l, k], att_dst[l, k], gat_b[l, k], N)
            xk = xk @ dec_W[l, k] + dec_b[l, k]
            xk = _lrelu(xk, 0.01)
            acc = acc + DECAY[k] * xk
        mu = acc.mean(axis=-1, keepdims=True)
        var = ((acc - mu) ** 2).mean(axis=-1, keepdims=True)
        xl = (acc - mu) / jnp.sqrt(var + 1e-5) * ln_g[l] + ln_b[l]
        h = xl + residual
        residual = h
    return h


def reference(x, edge_index, edge_type, genre, genre_mask, W1, b1, gat_W, att_src, att_dst, gat_b, dec_W, dec_b, ln_g, ln_b):
    return _forward(x, edge_index, W1, b1, gat_W, att_src, att_dst, gat_b, dec_W, dec_b, ln_g, ln_b)

if __name__ == "__main__":
    import jax
    _d = setup_inputs()
    print(jax.jit(kernel)(*tuple(_d.values())))

</pallas_src>

<mosaic_0001>
#map = affine_map<(d0, d1) -> (0)>
#map1 = affine_map<(d0, d1) -> (0, 0)>
module attributes {stable_mosaic.version = 14 : i64} {
  func.func @_nbr_body(%arg0: i32, %arg1: i32, %arg2: memref<320000xi32, #tpu.memory_space<hbm>>, %arg3: memref<320000xi32, #tpu.memory_space<hbm>>, %arg4: memref<2x10240xi32, #tpu.memory_space<hbm>>, %arg5: memref<10000xi32, #tpu.memory_space<vmem>>, %arg6: memref<10000xi32, #tpu.memory_space<vmem>>, %arg7: memref<10240xi32, #tpu.memory_space<vmem>>, %arg8: memref<10240xi32, #tpu.memory_space<vmem>>, %arg9: memref<640xi32, #tpu.memory_space<vmem>>, %arg10: memref<16x10240xi32, #tpu.memory_space<vmem_shared>>) attributes {dimension_semantics = [#tpu.dimension_semantics<core_parallel>, #tpu.dimension_semantics<subcore_parallel>], iteration_bounds = array<i64: 2, 16>, scalar_prefetch = 0 : i64, scratch_operands = 6 : i64, tpu.core_type = #tpu.core_type<sc_vector_subcore>, window_params = [{transform_indices = #map}, {transform_indices = #map}, {transform_indices = #map1}]} {
    %mul3A = arith.constant 2 : i32
    %mul3A_0 = arith.muli %arg1, %mul3A : i32
    %add3A = arith.addi %mul3A_0, %arg0 : i32
    %mul3A_1 = arith.constant 10000 : i32
    %mul3A_2 = arith.muli %add3A, %mul3A_1 : i32
    "tpu.region"() ({
      %run_scoped3A_74 = tpu.sem_alloc : memref<!tpu.dma_semaphore, #tpu.memory_space<semaphore_mem>>
      %dma_start3A = tpu.memref_slice %arg2[%mul3A_2] : memref<320000xi32, #tpu.memory_space<hbm>> -> memref<10000xi32, #tpu.memory_space<hbm>>
      %dma_start3A_75 = tpu.memref_slice %arg2[%mul3A_2] : memref<320000xi32, #tpu.memory_space<hbm>> -> memref<10000xi32, #tpu.memory_space<hbm>>
      tpu.enqueue_dma source(%dma_start3A_75 : memref<10000xi32, #tpu.memory_space<hbm>>) target(%arg5 : memref<10000xi32, #tpu.memory_space<vmem>>) target_semaphore(%run_scoped3A_74 : memref<!tpu.dma_semaphore, #tpu.memory_space<semaphore_mem>>)
      %dma_wait3A = tpu.memref_slice %arg2[%mul3A_2] : memref<320000xi32, #tpu.memory_space<hbm>> -> memref<10000xi32, #tpu.memory_space<hbm>>
      %dma_wait3A_76 = tpu.memref_slice %arg2[%mul3A_2] : memref<320000xi32, #tpu.memory_space<hbm>> -> memref<10000xi32, #tpu.memory_space<hbm>>
      tpu.wait_dma2 semaphore(%run_scoped3A_74 : memref<!tpu.dma_semaphore, #tpu.memory_space<semaphore_mem>>) src(%dma_wait3A_76 : memref<10000xi32, #tpu.memory_space<hbm>>) dst(%arg5 : memref<10000xi32, #tpu.memory_space<vmem>>)
      tpu.yield
    }) : () -> ()
    %mul3A_3 = arith.constant 10000 : i32
    %mul3A_4 = arith.muli %add3A, %mul3A_3 : i32
    "tpu.region"() ({
      %run_scoped3A_74 = tpu.sem_alloc : memref<!tpu.dma_semaphore, #tpu.memory_space<semaphore_mem>>
      %dma_start3A = tpu.memref_slice %arg3[%mul3A_4] : memref<320000xi32, #tpu.memory_space<hbm>> -> memref<10000xi32, #tpu.memory_space<hbm>>
      %dma_start3A_75 = tpu.memref_slice %arg3[%mul3A_4] : memref<320000xi32, #tpu.memory_space<hbm>> -> memref<10000xi32, #tpu.memory_space<hbm>>
      tpu.enqueue_dma source(%dma_start3A_75 : memref<10000xi32, #tpu.memory_space<hbm>>) target(%arg6 : memref<10000xi32, #tpu.memory_space<vmem>>) target_semaphore(%run_scoped3A_74 : memref<!tpu.dma_semaphore, #tpu.memory_space<semaphore_mem>>)
      %dma_wait3A = tpu.memref_slice %arg3[%mul3A_4] : memref<320000xi32, #tpu.memory_space<hbm>> -> memref<10000xi32, #tpu.memory_space<hbm>>
      %dma_wait3A_76 = tpu.memref_slice %arg3[%mul3A_4] : memref<320000xi32, #tpu.memory_space<hbm>> -> memref<10000xi32, #tpu.memory_space<hbm>>
      tpu.wait_dma2 semaphore(%run_scoped3A_74 : memref<!tpu.dma_semaphore, #tpu.memory_space<semaphore_mem>>) src(%dma_wait3A_76 : memref<10000xi32, #tpu.memory_space<hbm>>) dst(%arg6 : memref<10000xi32, #tpu.memory_space<vmem>>)
      tpu.yield
    }) : () -> ()
    %scan3A = arith.constant 0 : i32
    %scan3A_5 = arith.constant 0 : i32
    %scan3A_6 = arith.constant 640 : i32
    %scan3A_7 = arith.addi %scan3A_5, %scan3A_6 : i32
    %scan3A_8 = arith.constant 1 : i32
    %scan3A_9 = scf.for %scan3A_74 = %scan3A_5 to %scan3A_7 step %scan3A_8 iter_args(%scan3A_75 = %scan3A) -> (i32)  : i32 {
      %broadcast_in_dim3A = arith.constant 0 : i32
      %broadcast_in_dim3A_76 = vector.broadcast %broadcast_in_dim3A : i32 to vector<16xi32>
      %mul3A_77 = arith.constant 16 : i32
      %mul3A_78 = arith.muli %scan3A_74, %mul3A_77 : i32
      %swap3A = arith.index_cast %mul3A_78 : i32 to index
      %swap3A_79 = tpu.vector_load %arg7[%swap3A] {strides = array<i32>} : memref<10240xi32, #tpu.memory_space<vmem>>, vector<16xi32>,
      tpu.vector_store %arg7[%swap3A], %broadcast_in_dim3A_76 {strides = array<i32>} : memref<10240xi32, #tpu.memory_space<vmem>>, vector<16xi32>,
      %scan3A_80 = arith.constant 0 : i32
      scf.yield %scan3A_80 : i32
    }
    %scan3A_10 = arith.constant 640 : i32
    %iota3A = tpu.iota {dimensions = array<i32: 0>} : vector<16xi32>
    %scan3A_11 = arith.constant 0 : i32
    %scan3A_12 = arith.constant 0 : i32
    %scan3A_13 = arith.constant 625 : i32
    %scan3A_14 = arith.addi %scan3A_12, %scan3A_13 : i32
    %scan3A_15 = arith.constant 1 : i32
    %scan3A_16 = scf.for %scan3A_74 = %scan3A_12 to %scan3A_14 step %scan3A_15 iter_args(%scan3A_75 = %scan3A_11) -> (i32)  : i32 {
      %mul3A_76 = arith.constant 16 : i32
      %mul3A_77 = arith.muli %scan3A_74, %mul3A_76 : i32
      %get3A = arith.index_cast %mul3A_77 : i32 to index
      %get3A_78 = tpu.vector_load %arg5[%get3A] {strides = array<i32>} : memref<10000xi32, #tpu.memory_space<vmem>>, vector<16xi32>,
      %mul3A_79 = arith.constant 16 : i32
      %mul3A_80 = arith.muli %scan3A_74, %mul3A_79 : i32
      %get3A_81 = arith.index_cast %mul3A_80 : i32 to index
      %get3A_82 = tpu.vector_load %arg6[%get3A_81] {strides = array<i32>} : memref<10000xi32, #tpu.memory_space<vmem>>, vector<16xi32>,
      %mul3A_83 = arith.constant 16384 : i32
      %mul3A_84 = vector.broadcast %mul3A_83 : i32 to vector<16xi32>
      %mul3A_85 = arith.muli %get3A_78, %mul3A_84 : vector<16xi32>
      %add3A_86 = arith.addi %mul3A_85, %get3A_82 : vector<16xi32>
      %masked_sort3A = arith.constant dense<true> : vector<16xi1>
      %masked_sort3A_87 = arith.constant -2147483648 : i32
      %masked_sort3A_88 = vector.broadcast %masked_sort3A_87 : i32 to vector<16xi32>
      %masked_sort3A_89 = arith.xori %add3A_86, %masked_sort3A_88 : vector<16xi32>
      %masked_sort3A_90, %masked_sort3A_91, %masked_sort3A_92 = tpu.sort %masked_sort3A_89, %get3A_82 masked %masked_sort3A : (vector<16xi32>, vector<16xi32>, vector<16xi1>) -> (vector<16xi1>, vector<16xi32>, vector<16xi32>)
      %masked_sort3A_93 = arith.xori %masked_sort3A_91, %masked_sort3A_88 : vector<16xi32>
      %shift_right_logical3A = arith.constant 14 : i32
      %shift_right_logical3A_94 = vector.broadcast %shift_right_logical3A : i32 to vector<16xi32>
      %shift_right_logical3A_95 = arith.shrui %masked_sort3A_93, %shift_right_logical3A_94 : vector<16xi32>
      %and3A = arith.constant 16383 : i32
      %and3A_96 = vector.broadcast %and3A : i32 to vector<16xi32>
      %and3A_97 = arith.andi %masked_sort3A_93, %and3A_96 : vector<16xi32>
      %add3A_98 = arith.constant 1 : i32
      %add3A_99 = vector.broadcast %add3A_98 : i32 to vector<16xi32>
      %add3A_100 = arith.addi %iota3A, %add3A_99 : vector<16xi32>
      %min3A = arith.constant 15 : i32
      %min3A_101 = vector.broadcast %min3A : i32 to vector<16xi32>
      %min3A_102 = arith.minsi %add3A_100, %min3A_101 : vector<16xi32>
      %broadcast_in_dim3A = vector.shape_cast %min3A_102 : vector<16xi32> to vector<16x1xi32>
      %gather3A = vector.shape_cast %broadcast_in_dim3A : vector<16x1xi32> to vector<16xi32>
      %gather3A_103 = tpu.dynamic_gather %shift_right_logical3A_95[%gather3A] in [0] : vector<16xi32>, vector<16xi32> -> vector<16xi32>
      %ne3A = arith.cmpi ne, %shift_right_logical3A_95, %gather3A_103 : vector<16xi32>
      %eq3A = arith.constant 15 : i32
      %eq3A_104 = vector.broadcast %eq3A : i32 to vector<16xi32>
      %eq3A_105 = arith.cmpi eq, %iota3A, %eq3A_104 : vector<16xi32>
      %or3A = arith.ori %ne3A, %eq3A_105 : vector<16xi1>
      %gather3A_106 = tpu.vector_load_idx %arg7[%shift_right_logical3A_95] masked %or3A : memref<10240xi32, #tpu.memory_space<vmem>>[vector<16xi32>], vector<16xi32>, vector<16xi1>
      %max3A = arith.maxsi %gather3A_106, %and3A_97 : vector<16xi32>
      tpu.vector_store_idx %arg7[%shift_right_logical3A_95], %max3A masked %or3A : memref<10240xi32, #tpu.memory_space<vmem>>[vector<16xi32>], vector<16xi32>, vector<16xi1>
      %scan3A_107 = arith.constant 0 : i32
      scf.yield %scan3A_107 : i32
    }
    %scan3A_17 = arith.constant 625 : i32
    "tpu.region"() ({
      %run_scoped3A_74 = tpu.sem_alloc : memref<!tpu.dma_semaphore, #tpu.memory_space<semaphore_mem>>
      %dma_start3A = arith.constant 0 : i32
      %dma_start3A_75 = tpu.memref_slice %arg10[%arg1, %dma_start3A] : memref<16x10240xi32, #tpu.memory_space<vmem_shared>> -> memref<1x10240xi32, #tpu.memory_space<vmem_shared>>
      %dma_start3A_76 = tpu.memref_squeeze %dma_start3A_75 : memref<1x10240xi32, #tpu.memory_space<vmem_shared>> -> memref<10240xi32, #tpu.memory_space<vmem_shared>>
      %dma_start3A_77 = arith.constant 0 : i32
      %dma_start3A_78 = tpu.memref_slice %arg10[%arg1, %dma_start3A_77] : memref<16x10240xi32, #tpu.memory_space<vmem_shared>> -> memref<1x10240xi32, #tpu.memory_space<vmem_shared>>
      %dma_start3A_79 = tpu.memref_squeeze %dma_start3A_78 : memref<1x10240xi32, #tpu.memory_space<vmem_shared>> -> memref<10240xi32, #tpu.memory_space<vmem_shared>>
      tpu.enqueue_dma source(%arg7 : memref<10240xi32, #tpu.memory_space<vmem>>) target(%dma_start3A_79 : memref<10240xi32, #tpu.memory_space<vmem_shared>>) target_semaphore(%run_scoped3A_74 : memref<!tpu.dma_semaphore, #tpu.memory_space<semaphore_mem>>)
      %dma_wait3A = arith.constant 0 : i32
      %dma_wait3A_80 = tpu.memref_slice %arg10[%arg1, %dma_wait3A] : memref<16x10240xi32, #tpu.memory_space<vmem_shared>> -> memref<1x10240xi32, #tpu.memory_space<vmem_shared>>
      %dma_wait3A_81 = tpu.memref_squeeze %dma_wait3A_80 : memref<1x10240xi32, #tpu.memory_space<vmem_shared>> -> memref<10240xi32, #tpu.memory_space<vmem_shared>>
      %dma_wait3A_82 = arith.constant 0 : i32
      %dma_wait3A_83 = tpu.memref_slice %arg10[%arg1, %dma_wait3A_82] : memref<16x10240xi32, #tpu.memory_space<vmem_shared>> -> memref<1x10240xi32, #tpu.memory_space<vmem_shared>>
      %dma_wait3A_84 = tpu.memref_squeeze %dma_wait3A_83 : memref<1x10240xi32, #tpu.memory_space<vmem_shared>> -> memref<10240xi32, #tpu.memory_space<vmem_shared>>
      tpu.wait_dma2 semaphore(%run_scoped3A_74 : memref<!tpu.dma_semaphore, #tpu.memory_space<semaphore_mem>>) src(%arg7 : memref<10240xi32, #tpu.memory_space<vmem>>) dst(%dma_wait3A_84 : memref<10240xi32, #tpu.memory_space<vmem_shared>>)
      tpu.yield
    }) : () -> ()
    %barrier3A = arith.constant 0 : index
    tpu.barrier barrier_id(%barrier3A)
    %mul3A_18 = arith.constant 640 : i32
    %mul3A_19 = arith.muli %arg1, %mul3A_18 : i32
    %run_scoped3A = arith.constant 0 : i32
    "tpu.region"() ({
      %run_scoped3A_74 = tpu.sem_alloc : memref<!tpu.dma_semaphore, #tpu.memory_space<semaphore_mem>>
      %dma_start3A = arith.constant 0 : i32
      %dma_start3A_75 = tpu.memref_slice %arg8[%dma_start3A] : memref<10240xi32, #tpu.memory_space<vmem>> -> memref<640xi32, #tpu.memory_space<vmem>>
      %dma_start3A_76 = tpu.memref_slice %arg10[%run_scoped3A, %mul3A_19] : memref<16x10240xi32, #tpu.memory_space<vmem_shared>> -> memref<1x640xi32, #tpu.memory_space<vmem_shared>>
      %dma_start3A_77 = tpu.memref_squeeze %dma_start3A_76 : memref<1x640xi32, #tpu.memory_space<vmem_shared>> -> memref<640xi32, #tpu.memory_space<vmem_shared>>
      %dma_start3A_78 = arith.constant 0 : i32
      %dma_start3A_79 = tpu.memref_slice %arg8[%dma_start3A_78] : memref<10240xi32, #tpu.memory_space<vmem>> -> memref<640xi32, #tpu.memory_space<vmem>>
      %dma_start3A_80 = tpu.memref_slice %arg10[%run_scoped3A, %mul3A_19] : memref<16x10240xi32, #tpu.memory_space<vmem_shared>> -> memref<1x640xi32, #tpu.memory_space<vmem_shared>>
      %dma_start3A_81 = tpu.memref_squeeze %dma_start3A_80 : memref<1x640xi32, #tpu.memory_space<vmem_shared>> -> memref<640xi32, #tpu.memory_space<vmem_shared>>
      tpu.enqueue_dma source(%dma_start3A_81 : memref<640xi32, #tpu.memory_space<vmem_shared>>) target(%dma_start3A_79 : memref<640xi32, #tpu.memory_space<vmem>>) target_semaphore(%run_scoped3A_74 : memref<!tpu.dma_semaphore, #tpu.memory_space<semaphore_mem>>)
      %dma_wait3A = arith.constant 0 : i32
      %dma_wait3A_82 = tpu.memref_slice %arg8[%dma_wait3A] : memref<10240xi32, #tpu.memory_space<vmem>> -> memref<640xi32, #tpu.memory_space<vmem>>
      %dma_wait3A_83 = tpu.memref_slice %arg10[%run_scoped3A, %mul3A_19] : memref<16x10240xi32, #tpu.memory_space<vmem_shared>> -> memref<1x640xi32, #tpu.memory_space<vmem_shared>>
      %dma_wait3A_84 = tpu.memref_squeeze %dma_wait3A_83 : memref<1x640xi32, #tpu.memory_space<vmem_shared>> -> memref<640xi32, #tpu.memory_space<vmem_shared>>
      %dma_wait3A_85 = arith.constant 0 : i32
      %dma_wait3A_86 = tpu.memref_slice %arg8[%dma_wait3A_85] : memref<10240xi32, #tpu.memory_space<vmem>> -> memref<640xi32, #tpu.memory_space<vmem>>
      %dma_wait3A_87 = tpu.memref_slice %arg10[%run_scoped3A, %mul3A_19] : memref<16x10240xi32, #tpu.memory_space<vmem_shared>> -> memref<1x640xi32, #tpu.memory_space<vmem_shared>>
      %dma_wait3A_88 = tpu.memref_squeeze %dma_wait3A_87 : memref<1x640xi32, #tpu.memory_space<vmem_shared>> -> memref<640xi32, #tpu.memory_space<vmem_shared>>
      tpu.wait_dma2 semaphore(%run_scoped3A_74 : memref<!tpu.dma_semaphore, #tpu.memory_space<semaphore_mem>>) src(%dma_wait3A_88 : memref<640xi32, #tpu.memory_space<vmem_shared>>) dst(%dma_wait3A_86 : memref<640xi32, #tpu.memory_space<vmem>>)
      tpu.yield
    }) : () -> ()
    %mul3A_20 = arith.constant 640 : i32
    %mul3A_21 = arith.muli %arg1, %mul3A_20 : i32
    %run_scoped3A_22 = arith.constant 1 : i32
    "tpu.region"() ({
      %run_scoped3A_74 = tpu.sem_alloc : memref<!tpu.dma_semaphore, #tpu.memory_space<semaphore_mem>>
      %dma_start3A = arith.constant 640 : i32
      %dma_start3A_75 = tpu.memref_slice %arg8[%dma_start3A] : memref<10240xi32, #tpu.memory_space<vmem>> -> memref<640xi32, #tpu.memory_space<vmem>>
      %dma_start3A_76 = tpu.memref_slice %arg10[%run_scoped3A_22, %mul3A_21] : memref<16x10240xi32, #tpu.memory_space<vmem_shared>> -> memref<1x640xi32, #tpu.memory_space<vmem_shared>>
      %dma_start3A_77 = tpu.memref_squeeze %dma_start3A_76 : memref<1x640xi32, #tpu.memory_space<vmem_shared>> -> memref<640xi32, #tpu.memory_space<vmem_shared>>
      %dma_start3A_78 = arith.constant 640 : i32
      %dma_start3A_79 = tpu.memref_slice %arg8[%dma_start3A_78] : memref<10240xi32, #tpu.memory_space<vmem>> -> memref<640xi32, #tpu.memory_space<vmem>>
      %dma_start3A_80 = tpu.memref_slice %arg10[%run_scoped3A_22, %mul3A_21] : memref<16x10240xi32, #tpu.memory_space<vmem_shared>> -> memref<1x640xi32, #tpu.memory_space<vmem_shared>>
      %dma_start3A_81 = tpu.memref_squeeze %dma_start3A_80 : memref<1x640xi32, #tpu.memory_space<vmem_shared>> -> memref<640xi32, #tpu.memory_space<vmem_shared>>
      tpu.enqueue_dma source(%dma_start3A_81 : memref<640xi32, #tpu.memory_space<vmem_shared>>) target(%dma_start3A_79 : memref<640xi32, #tpu.memory_space<vmem>>) target_semaphore(%run_scoped3A_74 : memref<!tpu.dma_semaphore, #tpu.memory_space<semaphore_mem>>)
      %dma_wait3A = arith.constant 640 : i32
      %dma_wait3A_82 = tpu.memref_slice %arg8[%dma_wait3A] : memref<10240xi32, #tpu.memory_space<vmem>> -> memref<640xi32, #tpu.memory_space<vmem>>
      %dma_wait3A_83 = tpu.memref_slice %arg10[%run_scoped3A_22, %mul3A_21] : memref<16x10240xi32, #tpu.memory_space<vmem_shared>> -> memref<1x640xi32, #tpu.memory_space<vmem_shared>>
      %dma_wait3A_84 = tpu.memref_squeeze %dma_wait3A_83 : memref<1x640xi32, #tpu.memory_space<vmem_shared>> -> memref<640xi32, #tpu.memory_space<vmem_shared>>
      %dma_wait3A_85 = arith.constant 640 : i32
      %dma_wait3A_86 = tpu.memref_slice %arg8[%dma_wait3A_85] : memref<10240xi32, #tpu.memory_space<vmem>> -> memref<640xi32, #tpu.memory_space<vmem>>
      %dma_wait3A_87 = tpu.memref_slice %arg10[%run_scoped3A_22, %mul3A_21] : memref<16x10240xi32, #tpu.memory_space<vmem_shared>> -> memref<1x640xi32, #tpu.memory_space<vmem_shared>>
      %dma_wait3A_88 = tpu.memref_squeeze %dma_wait3A_87 : memref<1x640xi32, #tpu.memory_space<vmem_shared>> -> memref<640xi32, #tpu.memory_space<vmem_shared>>
      tpu.wait_dma2 semaphore(%run_scoped3A_74 : memref<!tpu.dma_semaphore, #tpu.memory_space<semaphore_mem>>) src(%dma_wait3A_88 : memref<640xi32, #tpu.memory_space<vmem_shared>>) dst(%dma_wait3A_86 : memref<640xi32, #tpu.memory_space<vmem>>)
      tpu.yield
    }) : () -> ()
    %mul3A_23 = arith.constant 640 : i32
    %mul3A_24 = arith.muli %arg1, %mul3A_23 : i32
    %run_scoped3A_25 = arith.constant 2 : i32
    "tpu.region"() ({
      %run_scoped3A_74 = tpu.sem_alloc : memref<!tpu.dma_semaphore, #tpu.memory_space<semaphore_mem>>
      %dma_start3A = arith.constant 1280 : i32
      %dma_start3A_75 = tpu.memref_slice %arg8[%dma_start3A] : memref<10240xi32, #tpu.memory_space<vmem>> -> memref<640xi32, #tpu.memory_space<vmem>>
      %dma_start3A_76 = tpu.memref_slice %arg10[%run_scoped3A_25, %mul3A_24] : memref<16x10240xi32, #tpu.memory_space<vmem_shared>> -> memref<1x640xi32, #tpu.memory_space<vmem_shared>>
      %dma_start3A_77 = tpu.memref_squeeze %dma_start3A_76 : memref<1x640xi32, #tpu.memory_space<vmem_shared>> -> memref<640xi32, #tpu.memory_space<vmem_shared>>
      %dma_start3A_78 = arith.constant 1280 : i32
      %dma_start3A_79 = tpu.memref_slice %arg8[%dma_start3A_78] : memref<10240xi32, #tpu.memory_space<vmem>> -> memref<640xi32, #tpu.memory_space<vmem>>
      %dma_start3A_80 = tpu.memref_slice %arg10[%run_scoped3A_25, %mul3A_24] : memref<16x10240xi32, #tpu.memory_space<vmem_shared>> -> memref<1x640xi32, #tpu.memory_space<vmem_shared>>
      %dma_start3A_81 = tpu.memref_squeeze %dma_start3A_80 : memref<1x640xi32, #tpu.memory_space<vmem_shared>> -> memref<640xi32, #tpu.memory_space<vmem_shared>>
      tpu.enqueue_dma source(%dma_start3A_81 : memref<640xi32, #tpu.memory_space<vmem_shared>>) target(%dma_start3A_79 : memref<640xi32, #tpu.memory_space<vmem>>) target_semaphore(%run_scoped3A_74 : memref<!tpu.dma_semaphore, #tpu.memory_space<semaphore_mem>>)
      %dma_wait3A = arith.constant 1280 : i32
      %dma_wait3A_82 = tpu.memref_slice %arg8[%dma_wait3A] : memref<10240xi32, #tpu.memory_space<vmem>> -> memref<640xi32, #tpu.memory_space<vmem>>
      %dma_wait3A_83 = tpu.memref_slice %arg10[%run_scoped3A_25, %mul3A_24] : memref<16x10240xi32, #tpu.memory_space<vmem_shared>> -> memref<1x640xi32, #tpu.memory_space<vmem_shared>>
      %dma_wait3A_84 = tpu.memref_squeeze %dma_wait3A_83 : memref<1x640xi32, #tpu.memory_space<vmem_shared>> -> memref<640xi32, #tpu.memory_space<vmem_shared>>
      %dma_wait3A_85 = arith.constant 1280 : i32
      %dma_wait3A_86 = tpu.memref_slice %arg8[%dma_wait3A_85] : memref<10240xi32, #tpu.memory_space<vmem>> -> memref<640xi32, #tpu.memory_space<vmem>>
      %dma_wait3A_87 = tpu.memref_slice %arg10[%run_scoped3A_25, %mul3A_24] : memref<16x10240xi32, #tpu.memory_space<vmem_shared>> -> memref<1x640xi32, #tpu.memory_space<vmem_shared>>
      %dma_wait3A_88 = tpu.memref_squeeze %dma_wait3A_87 : memref<1x640xi32, #tpu.memory_space<vmem_shared>> -> memref<640xi32, #tpu.memory_space<vmem_shared>>
      tpu.wait_dma2 semaphore(%run_scoped3A_74 : memref<!tpu.dma_semaphore, #tpu.memory_space<semaphore_mem>>) src(%dma_wait3A_88 : memref<640xi32, #tpu.memory_space<vmem_shared>>) dst(%dma_wait3A_86 : memref<640xi32, #tpu.memory_space<vmem>>)
      tpu.yield
    }) : () -> ()
    %mul3A_26 = arith.constant 640 : i32
    %mul3A_27 = arith.muli %arg1, %mul3A_26 : i32
    %run_scoped3A_28 = arith.constant 3 : i32
    "tpu.region"() ({
      %run_scoped3A_74 = tpu.sem_alloc : memref<!tpu.dma_semaphore, #tpu.memory_space<semaphore_mem>>
      %dma_start3A = arith.constant 1920 : i32
      %dma_start3A_75 = tpu.memref_slice %arg8[%dma_start3A] : memref<10240xi32, #tpu.memory_space<vmem>> -> memref<640xi32, #tpu.memory_space<vmem>>
      %dma_start3A_76 = tpu.memref_slice %arg10[%run_scoped3A_28, %mul3A_27] : memref<16x10240xi32, #tpu.memory_space<vmem_shared>> -> memref<1x640xi32, #tpu.memory_space<vmem_shared>>
      %dma_start3A_77 = tpu.memref_squeeze %dma_start3A_76 : memref<1x640xi32, #tpu.memory_space<vmem_shared>> -> memref<640xi32, #tpu.memory_space<vmem_shared>>
      %dma_start3A_78 = arith.constant 1920 : i32
      %dma_start3A_79 = tpu.memref_slice %arg8[%dma_start3A_78] : memref<10240xi32, #tpu.memory_space<vmem>> -> memref<640xi32, #tpu.memory_space<vmem>>
      %dma_start3A_80 = tpu.memref_slice %arg10[%run_scoped3A_28, %mul3A_27] : memref<16x10240xi32, #tpu.memory_space<vmem_shared>> -> memref<1x640xi32, #tpu.memory_space<vmem_shared>>
      %dma_start3A_81 = tpu.memref_squeeze %dma_start3A_80 : memref<1x640xi32, #tpu.memory_space<vmem_shared>> -> memref<640xi32, #tpu.memory_space<vmem_shared>>
      tpu.enqueue_dma source(%dma_start3A_81 : memref<640xi32, #tpu.memory_space<vmem_shared>>) target(%dma_start3A_79 : memref<640xi32, #tpu.memory_space<vmem>>) target_semaphore(%run_scoped3A_74 : memref<!tpu.dma_semaphore, #tpu.memory_space<semaphore_mem>>)
      %dma_wait3A = arith.constant 1920 : i32
      %dma_wait3A_82 = tpu.memref_slice %arg8[%dma_wait3A] : memref<10240xi32, #tpu.memory_space<vmem>> -> memref<640xi32, #tpu.memory_space<vmem>>
      %dma_wait3A_83 = tpu.memref_slice %arg10[%run_scoped3A_28, %mul3A_27] : memref<16x10240xi32, #tpu.memory_space<vmem_shared>> -> memref<1x640xi32, #tpu.memory_space<vmem_shared>>
      %dma_wait3A_84 = tpu.memref_squeeze %dma_wait3A_83 : memref<1x640xi32, #tpu.memory_space<vmem_shared>> -> memref<640xi32, #tpu.memory_space<vmem_shared>>
      %dma_wait3A_85 = arith.constant 1920 : i32
      %dma_wait3A_86 = tpu.memref_slice %arg8[%dma_wait3A_85] : memref<10240xi32, #tpu.memory_space<vmem>> -> memref<640xi32, #tpu.memory_space<vmem>>
      %dma_wait3A_87 = tpu.memref_slice %arg10[%run_scoped3A_28, %mul3A_27] : memref<16x10240xi32, #tpu.memory_space<vmem_shared>> -> memref<1x640xi32, #tpu.memory_space<vmem_shared>>
      %dma_wait3A_88 = tpu.memref_squeeze %dma_wait3A_87 : memref<1x640xi32, #tpu.memory_space<vmem_shared>> -> memref<640xi32, #tpu.memory_space<vmem_shared>>
      tpu.wait_dma2 semaphore(%run_scoped3A_74 : memref<!tpu.dma_semaphore, #tpu.memory_space<semaphore_mem>>) src(%dma_wait3A_88 : memref<640xi32, #tpu.memory_space<vmem_shared>>) dst(%dma_wait3A_86 : memref<640xi32, #tpu.memory_space<vmem>>)
      tpu.yield
    }) : () -> ()
    %mul3A_29 = arith.constant 640 : i32
    %mul3A_30 = arith.muli %arg1, %mul3A_29 : i32
    %run_scoped3A_31 = arith.constant 4 : i32
    "tpu.region"() ({
      %run_scoped3A_74 = tpu.sem_alloc : memref<!tpu.dma_semaphore, #tpu.memory_space<semaphore_mem>>
      %dma_start3A = arith.constant 2560 : i32
      %dma_start3A_75 = tpu.memref_slice %arg8[%dma_start3A] : memref<10240xi32, #tpu.memory_space<vmem>> -> memref<640xi32, #tpu.memory_space<vmem>>
      %dma_start3A_76 = tpu.memref_slice %arg10[%run_scoped3A_31, %mul3A_30] : memref<16x10240xi32, #tpu.memory_space<vmem_shared>> -> memref<1x640xi32, #tpu.memory_space<vmem_shared>>
      %dma_start3A_77 = tpu.memref_squeeze %dma_start3A_76 : memref<1x640xi32, #tpu.memory_space<vmem_shared>> -> memref<640xi32, #tpu.memory_space<vmem_shared>>
      %dma_start3A_78 = arith.constant 2560 : i32
      %dma_start3A_79 = tpu.memref_slice %arg8[%dma_start3A_78] : memref<10240xi32, #tpu.memory_space<vmem>> -> memref<640xi32, #tpu.memory_space<vmem>>
      %dma_start3A_80 = tpu.memref_slice %arg10[%run_scoped3A_31, %mul3A_30] : memref<16x10240xi32, #tpu.memory_space<vmem_shared>> -> memref<1x640xi32, #tpu.memory_space<vmem_shared>>
      %dma_start3A_81 = tpu.memref_squeeze %dma_start3A_80 : memref<1x640xi32, #tpu.memory_space<vmem_shared>> -> memref<640xi32, #tpu.memory_space<vmem_shared>>
      tpu.enqueue_dma source(%dma_start3A_81 : memref<640xi32, #tpu.memory_space<vmem_shared>>) target(%dma_start3A_79 : memref<640xi32, #tpu.memory_space<vmem>>) target_semaphore(%run_scoped3A_74 : memref<!tpu.dma_semaphore, #tpu.memory_space<semaphore_mem>>)
      %dma_wait3A = arith.constant 2560 : i32
      %dma_wait3A_82 = tpu.memref_slice %arg8[%dma_wait3A] : memref<10240xi32, #tpu.memory_space<vmem>> -> memref<640xi32, #tpu.memory_space<vmem>>
      %dma_wait3A_83 = tpu.memref_slice %arg10[%run_scoped3A_31, %mul3A_30] : memref<16x10240xi32, #tpu.memory_space<vmem_shared>> -> memref<1x640xi32, #tpu.memory_space<vmem_shared>>
      %dma_wait3A_84 = tpu.memref_squeeze %dma_wait3A_83 : memref<1x640xi32, #tpu.memory_space<vmem_shared>> -> memref<640xi32, #tpu.memory_space<vmem_shared>>
      %dma_wait3A_85 = arith.constant 2560 : i32
      %dma_wait3A_86 = tpu.memref_slice %arg8[%dma_wait3A_85] : memref<10240xi32, #tpu.memory_space<vmem>> -> memref<640xi32, #tpu.memory_space<vmem>>
      %dma_wait3A_87 = tpu.memref_slice %arg10[%run_scoped3A_31, %mul3A_30] : memref<16x10240xi32, #tpu.memory_space<vmem_shared>> -> memref<1x640xi32, #tpu.memory_space<vmem_shared>>
      %dma_wait3A_88 = tpu.memref_squeeze %dma_wait3A_87 : memref<1x640xi32, #tpu.memory_space<vmem_shared>> -> memref<640xi32, #tpu.memory_space<vmem_shared>>
      tpu.wait_dma2 semaphore(%run_scoped3A_74 : memref<!tpu.dma_semaphore, #tpu.memory_space<semaphore_mem>>) src(%dma_wait3A_88 : memref<640xi32, #tpu.memory_space<vmem_shared>>) dst(%dma_wait3A_86 : memref<640xi32, #tpu.memory_space<vmem>>)
      tpu.yield
    }) : () -> ()
    %mul3A_32 = arith.constant 640 : i32
    %mul3A_33 = arith.muli %arg1, %mul3A_32 : i32
    %run_scoped3A_34 = arith.constant 5 : i32
    "tpu.region"() ({
      %run_scoped3A_74 = tpu.sem_alloc : memref<!tpu.dma_semaphore, #tpu.memory_space<semaphore_mem>>
      %dma_start3A = arith.constant 3200 : i32
      %dma_start3A_75 = tpu.memref_slice %arg8[%dma_start3A] : memref<10240xi32, #tpu.memory_space<vmem>> -> memref<640xi32, #tpu.memory_space<vmem>>
      %dma_start3A_76 = tpu.memref_slice %arg10[%run_scoped3A_34, %mul3A_33] : memref<16x10240xi32, #tpu.memory_space<vmem_shared>> -> memref<1x640xi32, #tpu.memory_space<vmem_shared>>
      %dma_start3A_77 = tpu.memref_squeeze %dma_start3A_76 : memref<1x640xi32, #tpu.memory_space<vmem_shared>> -> memref<640xi32, #tpu.memory_space<vmem_shared>>
      %dma_start3A_78 = arith.constant 3200 : i32
      %dma_start3A_79 = tpu.memref_slice %arg8[%dma_start3A_78] : memref<10240xi32, #tpu.memory_space<vmem>> -> memref<640xi32, #tpu.memory_space<vmem>>
      %dma_start3A_80 = tpu.memref_slice %arg10[%run_scoped3A_34, %mul3A_33] : memref<16x10240xi32, #tpu.memory_space<vmem_shared>> -> memref<1x640xi32, #tpu.memory_space<vmem_shared>>
      %dma_start3A_81 = tpu.memref_squeeze %dma_start3A_80 : memref<1x640xi32, #tpu.memory_space<vmem_shared>> -> memref<640xi32, #tpu.memory_space<vmem_shared>>
      tpu.enqueue_dma source(%dma_start3A_81 : memref<640xi32, #tpu.memory_space<vmem_shared>>) target(%dma_start3A_79 : memref<640xi32, #tpu.memory_space<vmem>>) target_semaphore(%run_scoped3A_74 : memref<!tpu.dma_semaphore, #tpu.memory_space<semaphore_mem>>)
      %dma_wait3A = arith.constant 3200 : i32
      %dma_wait3A_82 = tpu.memref_slice %arg8[%dma_wait3A] : memref<10240xi32, #tpu.memory_space<vmem>> -> memref<640xi32, #tpu.memory_space<vmem>>
      %dma_wait3A_83 = tpu.memref_slice %arg10[%run_scoped3A_34, %mul3A_33] : memref<16x10240xi32, #tpu.memory_space<vmem_shared>> -> memref<1x640xi32, #tpu.memory_space<vmem_shared>>
      %dma_wait3A_84 = tpu.memref_squeeze %dma_wait3A_83 : memref<1x640xi32, #tpu.memory_space<vmem_shared>> -> memref<640xi32, #tpu.memory_space<vmem_shared>>
      %dma_wait3A_85 = arith.constant 3200 : i32
      %dma_wait3A_86 = tpu.memref_slice %arg8[%dma_wait3A_85] : memref<10240xi32, #tpu.memory_space<vmem>> -> memref<640xi32, #tpu.memory_space<vmem>>
      %dma_wait3A_87 = tpu.memref_slice %arg10[%run_scoped3A_34, %mul3A_33] : memref<16x10240xi32, #tpu.memory_space<vmem_shared>> -> memref<1x640xi32, #tpu.memory_space<vmem_shared>>
      %dma_wait3A_88 = tpu.memref_squeeze %dma_wait3A_87 : memref<1x640xi32, #tpu.memory_space<vmem_shared>> -> memref<640xi32, #tpu.memory_space<vmem_shared>>
      tpu.wait_dma2 semaphore(%run_scoped3A_74 : memref<!tpu.dma_semaphore, #tpu.memory_space<semaphore_mem>>) src(%dma_wait3A_88 : memref<640xi32, #tpu.memory_space<vmem_shared>>) dst(%dma_wait3A_86 : memref<640xi32, #tpu.memory_space<vmem>>)
      tpu.yield
    }) : () -> ()
    %mul3A_35 = arith.constant 640 : i32
    %mul3A_36 = arith.muli %arg1, %mul3A_35 : i32
    %run_scoped3A_37 = arith.constant 6 : i32
    "tpu.region"() ({
      %run_scoped3A_74 = tpu.sem_alloc : memref<!tpu.dma_semaphore, #tpu.memory_space<semaphore_mem>>
      %dma_start3A = arith.constant 3840 : i32
      %dma_start3A_75 = tpu.memref_slice %arg8[%dma_start3A] : memref<10240xi32, #tpu.memory_space<vmem>> -> memref<640xi32, #tpu.memory_space<vmem>>
      %dma_start3A_76 = tpu.memref_slice %arg10[%run_scoped3A_37, %mul3A_36] : memref<16x10240xi32, #tpu.memory_space<vmem_shared>> -> memref<1x640xi32, #tpu.memory_space<vmem_shared>>
      %dma_start3A_77 = tpu.memref_squeeze %dma_start3A_76 : memref<1x640xi32, #tpu.memory_space<vmem_shared>> -> memref<640xi32, #tpu.memory_space<vmem_shared>>
      %dma_start3A_78 = arith.constant 3840 : i32
      %dma_start3A_79 = tpu.memref_slice %arg8[%dma_start3A_78] : memref<10240xi32, #tpu.memory_space<vmem>> -> memref<640xi32, #tpu.memory_space<vmem>>
      %dma_start3A_80 = tpu.memref_slice %arg10[%run_scoped3A_37, %mul3A_36] : memref<16x10240xi32, #tpu.memory_space<vmem_shared>> -> memref<1x640xi32, #tpu.memory_space<vmem_shared>>
      %dma_start3A_81 = tpu.memref_squeeze %dma_start3A_80 : memref<1x640xi32, #tpu.memory_space<vmem_shared>> -> memref<640xi32, #tpu.memory_space<vmem_shared>>
      tpu.enqueue_dma source(%dma_start3A_81 : memref<640xi32, #tpu.memory_space<vmem_shared>>) target(%dma_start3A_79 : memref<640xi32, #tpu.memory_space<vmem>>) target_semaphore(%run_scoped3A_74 : memref<!tpu.dma_semaphore, #tpu.memory_space<semaphore_mem>>)
      %dma_wait3A = arith.constant 3840 : i32
      %dma_wait3A_82 = tpu.memref_slice %arg8[%dma_wait3A] : memref<10240xi32, #tpu.memory_space<vmem>> -> memref<640xi32, #tpu.memory_space<vmem>>
      %dma_wait3A_83 = tpu.memref_slice %arg10[%run_scoped3A_37, %mul3A_36] : memref<16x10240xi32, #tpu.memory_space<vmem_shared>> -> memref<1x640xi32, #tpu.memory_space<vmem_shared>>
      %dma_wait3A_84 = tpu.memref_squeeze %dma_wait3A_83 : memref<1x640xi32, #tpu.memory_space<vmem_shared>> -> memref<640xi32, #tpu.memory_space<vmem_shared>>
      %dma_wait3A_85 = arith.constant 3840 : i32
      %dma_wait3A_86 = tpu.memref_slice %arg8[%dma_wait3A_85] : memref<10240xi32, #tpu.memory_space<vmem>> -> memref<640xi32, #tpu.memory_space<vmem>>
      %dma_wait3A_87 = tpu.memref_slice %arg10[%run_scoped3A_37, %mul3A_36] : memref<16x10240xi32, #tpu.memory_space<vmem_shared>> -> memref<1x640xi32, #tpu.memory_space<vmem_shared>>
      %dma_wait3A_88 = tpu.memref_squeeze %dma_wait3A_87 : memref<1x640xi32, #tpu.memory_space<vmem_shared>> -> memref<640xi32, #tpu.memory_space<vmem_shared>>
      tpu.wait_dma2 semaphore(%run_scoped3A_74 : memref<!tpu.dma_semaphore, #tpu.memory_space<semaphore_mem>>) src(%dma_wait3A_88 : memref<640xi32, #tpu.memory_space<vmem_shared>>) dst(%dma_wait3A_86 : memref<640xi32, #tpu.memory_space<vmem>>)
      tpu.yield
    }) : () -> ()
    %mul3A_38 = arith.constant 640 : i32
    %mul3A_39 = arith.muli %arg1, %mul3A_38 : i32
    %run_scoped3A_40 = arith.constant 7 : i32
    "tpu.region"() ({
      %run_scoped3A_74 = tpu.sem_alloc : memref<!tpu.dma_semaphore, #tpu.memory_space<semaphore_mem>>
      %dma_start3A = arith.constant 4480 : i32
      %dma_start3A_75 = tpu.memref_slice %arg8[%dma_start3A] : memref<10240xi32, #tpu.memory_space<vmem>> -> memref<640xi32, #tpu.memory_space<vmem>>
      %dma_start3A_76 = tpu.memref_slice %arg10[%run_scoped3A_40, %mul3A_39] : memref<16x10240xi32, #tpu.memory_space<vmem_shared>> -> memref<1x640xi32, #tpu.memory_space<vmem_shared>>
      %dma_start3A_77 = tpu.memref_squeeze %dma_start3A_76 : memref<1x640xi32, #tpu.memory_space<vmem_shared>> -> memref<640xi32, #tpu.memory_space<vmem_shared>>
      %dma_start3A_78 = arith.constant 4480 : i32
      %dma_start3A_79 = tpu.memref_slice %arg8[%dma_start3A_78] : memref<10240xi32, #tpu.memory_space<vmem>> -> memref<640xi32, #tpu.memory_space<vmem>>
      %dma_start3A_80 = tpu.memref_slice %arg10[%run_scoped3A_40, %mul3A_39] : memref<16x10240xi32, #tpu.memory_space<vmem_shared>> -> memref<1x640xi32, #tpu.memory_space<vmem_shared>>
      %dma_start3A_81 = tpu.memref_squeeze %dma_start3A_80 : memref<1x640xi32, #tpu.memory_space<vmem_shared>> -> memref<640xi32, #tpu.memory_space<vmem_shared>>
      tpu.enqueue_dma source(%dma_start3A_81 : memref<640xi32, #tpu.memory_space<vmem_shared>>) target(%dma_start3A_79 : memref<640xi32, #tpu.memory_space<vmem>>) target_semaphore(%run_scoped3A_74 : memref<!tpu.dma_semaphore, #tpu.memory_space<semaphore_mem>>)
      %dma_wait3A = arith.constant 4480 : i32
      %dma_wait3A_82 = tpu.memref_slice %arg8[%dma_wait3A] : memref<10240xi32, #tpu.memory_space<vmem>> -> memref<640xi32, #tpu.memory_space<vmem>>
      %dma_wait3A_83 = tpu.memref_slice %arg10[%run_scoped3A_40, %mul3A_39] : memref<16x10240xi32, #tpu.memory_space<vmem_shared>> -> memref<1x640xi32, #tpu.memory_space<vmem_shared>>
      %dma_wait3A_84 = tpu.memref_squeeze %dma_wait3A_83 : memref<1x640xi32, #tpu.memory_space<vmem_shared>> -> memref<640xi32, #tpu.memory_space<vmem_shared>>
      %dma_wait3A_85 = arith.constant 4480 : i32
      %dma_wait3A_86 = tpu.memref_slice %arg8[%dma_wait3A_85] : memref<10240xi32, #tpu.memory_space<vmem>> -> memref<640xi32, #tpu.memory_space<vmem>>
      %dma_wait3A_87 = tpu.memref_slice %arg10[%run_scoped3A_40, %mul3A_39] : memref<16x10240xi32, #tpu.memory_space<vmem_shared>> -> memref<1x640xi32, #tpu.memory_space<vmem_shared>>
      %dma_wait3A_88 = tpu.memref_squeeze %dma_wait3A_87 : memref<1x640xi32, #tpu.memory_space<vmem_shared>> -> memref<640xi32, #tpu.memory_space<vmem_shared>>
      tpu.wait_dma2 semaphore(%run_scoped3A_74 : memref<!tpu.dma_semaphore, #tpu.memory_space<semaphore_mem>>) src(%dma_wait3A_88 : memref<640xi32, #tpu.memory_space<vmem_shared>>) dst(%dma_wait3A_86 : memref<640xi32, #tpu.memory_space<vmem>>)
      tpu.yield
    }) : () -> ()
    %mul3A_41 = arith.constant 640 : i32
    %mul3A_42 = arith.muli %arg1, %mul3A_41 : i32
    %run_scoped3A_43 = arith.constant 8 : i32
    "tpu.region"() ({
      %run_scoped3A_74 = tpu.sem_alloc : memref<!tpu.dma_semaphore, #tpu.memory_space<semaphore_mem>>
      %dma_start3A = arith.constant 5120 : i32
      %dma_start3A_75 = tpu.memref_slice %arg8[%dma_start3A] : memref<10240xi32, #tpu.memory_space<vmem>> -> memref<640xi32, #tpu.memory_space<vmem>>
      %dma_start3A_76 = tpu.memref_slice %arg10[%run_scoped3A_43, %mul3A_42] : memref<16x10240xi32, #tpu.memory_space<vmem_shared>> -> memref<1x640xi32, #tpu.memory_space<vmem_shared>>
      %dma_start3A_77 = tpu.memref_squeeze %dma_start3A_76 : memref<1x640xi32, #tpu.memory_space<vmem_shared>> -> memref<640xi32, #tpu.memory_space<vmem_shared>>
      %dma_start3A_78 = arith.constant 5120 : i32
      %dma_start3A_79 = tpu.memref_slice %arg8[%dma_start3A_78] : memref<10240xi32, #tpu.memory_space<vmem>> -> memref<640xi32, #tpu.memory_space<vmem>>
      %dma_start3A_80 = tpu.memref_slice %arg10[%run_scoped3A_43, %mul3A_42] : memref<16x10240xi32, #tpu.memory_space<vmem_shared>> -> memref<1x640xi32, #tpu.memory_space<vmem_shared>>
      %dma_start3A_81 = tpu.memref_squeeze %dma_start3A_80 : memref<1x640xi32, #tpu.memory_space<vmem_shared>> -> memref<640xi32, #tpu.memory_space<vmem_shared>>
      tpu.enqueue_dma source(%dma_start3A_81 : memref<640xi32, #tpu.memory_space<vmem_shared>>) target(%dma_start3A_79 : memref<640xi32, #tpu.memory_space<vmem>>) target_semaphore(%run_scoped3A_74 : memref<!tpu.dma_semaphore, #tpu.memory_space<semaphore_mem>>)
      %dma_wait3A = arith.constant 5120 : i32
      %dma_wait3A_82 = tpu.memref_slice %arg8[%dma_wait3A] : memref<10240xi32, #tpu.memory_space<vmem>> -> memref<640xi32, #tpu.memory_space<vmem>>
      %dma_wait3A_83 = tpu.memref_slice %arg10[%run_scoped3A_43, %mul3A_42] : memref<16x10240xi32, #tpu.memory_space<vmem_shared>> -> memref<1x640xi32, #tpu.memory_space<vmem_shared>>
      %dma_wait3A_84 = tpu.memref_squeeze %dma_wait3A_83 : memref<1x640xi32, #tpu.memory_space<vmem_shared>> -> memref<640xi32, #tpu.memory_space<vmem_shared>>
      %dma_wait3A_85 = arith.constant 5120 : i32
      %dma_wait3A_86 = tpu.memref_slice %arg8[%dma_wait3A_85] : memref<10240xi32, #tpu.memory_space<vmem>> -> memref<640xi32, #tpu.memory_space<vmem>>
      %dma_wait3A_87 = tpu.memref_slice %arg10[%run_scoped3A_43, %mul3A_42] : memref<16x10240xi32, #tpu.memory_space<vmem_shared>> -> memref<1x640xi32, #tpu.memory_space<vmem_shared>>
      %dma_wait3A_88 = tpu.memref_squeeze %dma_wait3A_87 : memref<1x640xi32, #tpu.memory_space<vmem_shared>> -> memref<640xi32, #tpu.memory_space<vmem_shared>>
      tpu.wait_dma2 semaphore(%run_scoped3A_74 : memref<!tpu.dma_semaphore, #tpu.memory_space<semaphore_mem>>) src(%dma_wait3A_88 : memref<640xi32, #tpu.memory_space<vmem_shared>>) dst(%dma_wait3A_86 : memref<640xi32, #tpu.memory_space<vmem>>)
      tpu.yield
    }) : () -> ()
    %mul3A_44 = arith.constant 640 : i32
    %mul3A_45 = arith.muli %arg1, %mul3A_44 : i32
    %run_scoped3A_46 = arith.constant 9 : i32
    "tpu.region"() ({
      %run_scoped3A_74 = tpu.sem_alloc : memref<!tpu.dma_semaphore, #tpu.memory_space<semaphore_mem>>
      %dma_start3A = arith.constant 5760 : i32
      %dma_start3A_75 = tpu.memref_slice %arg8[%dma_start3A] : memref<10240xi32, #tpu.memory_space<vmem>> -> memref<640xi32, #tpu.memory_space<vmem>>
      %dma_start3A_76 = tpu.memref_slice %arg10[%run_scoped3A_46, %mul3A_45] : memref<16x10240xi32, #tpu.memory_space<vmem_shared>> -> memref<1x640xi32, #tpu.memory_space<vmem_shared>>
      %dma_start3A_77 = tpu.memref_squeeze %dma_start3A_76 : memref<1x640xi32, #tpu.memory_space<vmem_shared>> -> memref<640xi32, #tpu.memory_space<vmem_shared>>
      %dma_start3A_78 = arith.constant 5760 : i32
      %dma_start3A_79 = tpu.memref_slice %arg8[%dma_start3A_78] : memref<10240xi32, #tpu.memory_space<vmem>> -> memref<640xi32, #tpu.memory_space<vmem>>
      %dma_start3A_80 = tpu.memref_slice %arg10[%run_scoped3A_46, %mul3A_45] : memref<16x10240xi32, #tpu.memory_space<vmem_shared>> -> memref<1x640xi32, #tpu.memory_space<vmem_shared>>
      %dma_start3A_81 = tpu.memref_squeeze %dma_start3A_80 : memref<1x640xi32, #tpu.memory_space<vmem_shared>> -> memref<640xi32, #tpu.memory_space<vmem_shared>>
      tpu.enqueue_dma source(%dma_start3A_81 : memref<640xi32, #tpu.memory_space<vmem_shared>>) target(%dma_start3A_79 : memref<640xi32, #tpu.memory_space<vmem>>) target_semaphore(%run_scoped3A_74 : memref<!tpu.dma_semaphore, #tpu.memory_space<semaphore_mem>>)
      %dma_wait3A = arith.constant 5760 : i32
      %dma_wait3A_82 = tpu.memref_slice %arg8[%dma_wait3A] : memref<10240xi32, #tpu.memory_space<vmem>> -> memref<640xi32, #tpu.memory_space<vmem>>
      %dma_wait3A_83 = tpu.memref_slice %arg10[%run_scoped3A_46, %mul3A_45] : memref<16x10240xi32, #tpu.memory_space<vmem_shared>> -> memref<1x640xi32, #tpu.memory_space<vmem_shared>>
      %dma_wait3A_84 = tpu.memref_squeeze %dma_wait3A_83 : memref<1x640xi32, #tpu.memory_space<vmem_shared>> -> memref<640xi32, #tpu.memory_space<vmem_shared>>
      %dma_wait3A_85 = arith.constant 5760 : i32
      %dma_wait3A_86 = tpu.memref_slice %arg8[%dma_wait3A_85] : memref<10240xi32, #tpu.memory_space<vmem>> -> memref<640xi32, #tpu.memory_space<vmem>>
      %dma_wait3A_87 = tpu.memref_slice %arg10[%run_scoped3A_46, %mul3A_45] : memref<16x10240xi32, #tpu.memory_space<vmem_shared>> -> memref<1x640xi32, #tpu.memory_space<vmem_shared>>
      %dma_wait3A_88 = tpu.memref_squeeze %dma_wait3A_87 : memref<1x640xi32, #tpu.memory_space<vmem_shared>> -> memref<640xi32, #tpu.memory_space<vmem_shared>>
      tpu.wait_dma2 semaphore(%run_scoped3A_74 : memref<!tpu.dma_semaphore, #tpu.memory_space<semaphore_mem>>) src(%dma_wait3A_88 : memref<640xi32, #tpu.memory_space<vmem_shared>>) dst(%dma_wait3A_86 : memref<640xi32, #tpu.memory_space<vmem>>)
      tpu.yield
    }) : () -> ()
    %mul3A_47 = arith.constant 640 : i32
    %mul3A_48 = arith.muli %arg1, %mul3A_47 : i32
    %run_scoped3A_49 = arith.constant 10 : i32
    "tpu.region"() ({
      %run_scoped3A_74 = tpu.sem_alloc : memref<!tpu.dma_semaphore, #tpu.memory_space<semaphore_mem>>
      %dma_start3A = arith.constant 6400 : i32
      %dma_start3A_75 = tpu.memref_slice %arg8[%dma_start3A] : memref<10240xi32, #tpu.memory_space<vmem>> -> memref<640xi32, #tpu.memory_space<vmem>>
      %dma_start3A_76 = tpu.memref_slice %arg10[%run_scoped3A_49, %mul3A_48] : memref<16x10240xi32, #tpu.memory_space<vmem_shared>> -> memref<1x640xi32, #tpu.memory_space<vmem_shared>>
      %dma_start3A_77 = tpu.memref_squeeze %dma_start3A_76 : memref<1x640xi32, #tpu.memory_space<vmem_shared>> -> memref<640xi32, #tpu.memory_space<vmem_shared>>
      %dma_start3A_78 = arith.constant 6400 : i32
      %dma_start3A_79 = tpu.memref_slice %arg8[%dma_start3A_78] : memref<10240xi32, #tpu.memory_space<vmem>> -> memref<640xi32, #tpu.memory_space<vmem>>
      %dma_start3A_80 = tpu.memref_slice %arg10[%run_scoped3A_49, %mul3A_48] : memref<16x10240xi32, #tpu.memory_space<vmem_shared>> -> memref<1x640xi32, #tpu.memory_space<vmem_shared>>
      %dma_start3A_81 = tpu.memref_squeeze %dma_start3A_80 : memref<1x640xi32, #tpu.memory_space<vmem_shared>> -> memref<640xi32, #tpu.memory_space<vmem_shared>>
      tpu.enqueue_dma source(%dma_start3A_81 : memref<640xi32, #tpu.memory_space<vmem_shared>>) target(%dma_start3A_79 : memref<640xi32, #tpu.memory_space<vmem>>) target_semaphore(%run_scoped3A_74 : memref<!tpu.dma_semaphore, #tpu.memory_space<semaphore_mem>>)
      %dma_wait3A = arith.constant 6400 : i32
      %dma_wait3A_82 = tpu.memref_slice %arg8[%dma_wait3A] : memref<10240xi32, #tpu.memory_space<vmem>> -> memref<640xi32, #tpu.memory_space<vmem>>
      %dma_wait3A_83 = tpu.memref_slice %arg10[%run_scoped3A_49, %mul3A_48] : memref<16x10240xi32, #tpu.memory_space<vmem_shared>> -> memref<1x640xi32, #tpu.memory_space<vmem_shared>>
      %dma_wait3A_84 = tpu.memref_squeeze %dma_wait3A_83 : memref<1x640xi32, #tpu.memory_space<vmem_shared>> -> memref<640xi32, #tpu.memory_space<vmem_shared>>
      %dma_wait3A_85 = arith.constant 6400 : i32
      %dma_wait3A_86 = tpu.memref_slice %arg8[%dma_wait3A_85] : memref<10240xi32, #tpu.memory_space<vmem>> -> memref<640xi32, #tpu.memory_space<vmem>>
      %dma_wait3A_87 = tpu.memref_slice %arg10[%run_scoped3A_49, %mul3A_48] : memref<16x10240xi32, #tpu.memory_space<vmem_shared>> -> memref<1x640xi32, #tpu.memory_space<vmem_shared>>
      %dma_wait3A_88 = tpu.memref_squeeze %dma_wait3A_87 : memref<1x640xi32, #tpu.memory_space<vmem_shared>> -> memref<640xi32, #tpu.memory_space<vmem_shared>>
      tpu.wait_dma2 semaphore(%run_scoped3A_74 : memref<!tpu.dma_semaphore, #tpu.memory_space<semaphore_mem>>) src(%dma_wait3A_88 : memref<640xi32, #tpu.memory_space<vmem_shared>>) dst(%dma_wait3A_86 : memref<640xi32, #tpu.memory_space<vmem>>)
      tpu.yield
    }) : () -> ()
    %mul3A_50 = arith.constant 640 : i32
    %mul3A_51 = arith.muli %arg1, %mul3A_50 : i32
    %run_scoped3A_52 = arith.constant 11 : i32
    "tpu.region"() ({
      %run_scoped3A_74 = tpu.sem_alloc : memref<!tpu.dma_semaphore, #tpu.memory_space<semaphore_mem>>
      %dma_start3A = arith.constant 7040 : i32
      %dma_start3A_75 = tpu.memref_slice %arg8[%dma_start3A] : memref<10240xi32, #tpu.memory_space<vmem>> -> memref<640xi32, #tpu.memory_space<vmem>>
      %dma_start3A_76 = tpu.memref_slice %arg10[%run_scoped3A_52, %mul3A_51] : memref<16x10240xi32, #tpu.memory_space<vmem_shared>> -> memref<1x640xi32, #tpu.memory_space<vmem_shared>>
      %dma_start3A_77 = tpu.memref_squeeze %dma_start3A_76 : memref<1x640xi32, #tpu.memory_space<vmem_shared>> -> memref<640xi32, #tpu.memory_space<vmem_shared>>
      %dma_start3A_78 = arith.constant 7040 : i32
      %dma_start3A_79 = tpu.memref_slice %arg8[%dma_start3A_78] : memref<10240xi32, #tpu.memory_space<vmem>> -> memref<640xi32, #tpu.memory_space<vmem>>
      %dma_start3A_80 = tpu.memref_slice %arg10[%run_scoped3A_52, %mul3A_51] : memref<16x10240xi32, #tpu.memory_space<vmem_shared>> -> memref<1x640xi32, #tpu.memory_space<vmem_shared>>
      %dma_start3A_81 = tpu.memref_squeeze %dma_start3A_80 : memref<1x640xi32, #tpu.memory_space<vmem_shared>> -> memref<640xi32, #tpu.memory_space<vmem_shared>>
      tpu.enqueue_dma source(%dma_start3A_81 : memref<640xi32, #tpu.memory_space<vmem_shared>>) target(%dma_start3A_79 : memref<640xi32, #tpu.memory_space<vmem>>) target_semaphore(%run_scoped3A_74 : memref<!tpu.dma_semaphore, #tpu.memory_space<semaphore_mem>>)
      %dma_wait3A = arith.constant 7040 : i32
      %dma_wait3A_82 = tpu.memref_slice %arg8[%dma_wait3A] : memref<10240xi32, #tpu.memory_space<vmem>> -> memref<640xi32, #tpu.memory_space<vmem>>
      %dma_wait3A_83 = tpu.memref_slice %arg10[%run_scoped3A_52, %mul3A_51] : memref<16x10240xi32, #tpu.memory_space<vmem_shared>> -> memref<1x640xi32, #tpu.memory_space<vmem_shared>>
      %dma_wait3A_84 = tpu.memref_squeeze %dma_wait3A_83 : memref<1x640xi32, #tpu.memory_space<vmem_shared>> -> memref<640xi32, #tpu.memory_space<vmem_shared>>
      %dma_wait3A_85 = arith.constant 7040 : i32
      %dma_wait3A_86 = tpu.memref_slice %arg8[%dma_wait3A_85] : memref<10240xi32, #tpu.memory_space<vmem>> -> memref<640xi32, #tpu.memory_space<vmem>>
      %dma_wait3A_87 = tpu.memref_slice %arg10[%run_scoped3A_52, %mul3A_51] : memref<16x10240xi32, #tpu.memory_space<vmem_shared>> -> memref<1x640xi32, #tpu.memory_space<vmem_shared>>
      %dma_wait3A_88 = tpu.memref_squeeze %dma_wait3A_87 : memref<1x640xi32, #tpu.memory_space<vmem_shared>> -> memref<640xi32, #tpu.memory_space<vmem_shared>>
      tpu.wait_dma2 semaphore(%run_scoped3A_74 : memref<!tpu.dma_semaphore, #tpu.memory_space<semaphore_mem>>) src(%dma_wait3A_88 : memref<640xi32, #tpu.memory_space<vmem_shared>>) dst(%dma_wait3A_86 : memref<640xi32, #tpu.memory_space<vmem>>)
      tpu.yield
    }) : () -> ()
    %mul3A_53 = arith.constant 640 : i32
    %mul3A_54 = arith.muli %arg1, %mul3A_53 : i32
    %run_scoped3A_55 = arith.constant 12 : i32
    "tpu.region"() ({
      %run_scoped3A_74 = tpu.sem_alloc : memref<!tpu.dma_semaphore, #tpu.memory_space<semaphore_mem>>
      %dma_start3A = arith.constant 7680 : i32
      %dma_start3A_75 = tpu.memref_slice %arg8[%dma_start3A] : memref<10240xi32, #tpu.memory_space<vmem>> -> memref<640xi32, #tpu.memory_space<vmem>>
      %dma_start3A_76 = tpu.memref_slice %arg10[%run_scoped3A_55, %mul3A_54] : memref<16x10240xi32, #tpu.memory_space<vmem_shared>> -> memref<1x640xi32, #tpu.memory_space<vmem_shared>>
      %dma_start3A_77 = tpu.memref_squeeze %dma_start3A_76 : memref<1x640xi32, #tpu.memory_space<vmem_shared>> -> memref<640xi32, #tpu.memory_space<vmem_shared>>
      %dma_start3A_78 = arith.constant 7680 : i32
      %dma_start3A_79 = tpu.memref_slice %arg8[%dma_start3A_78] : memref<10240xi32, #tpu.memory_space<vmem>> -> memref<640xi32, #tpu.memory_space<vmem>>
      %dma_start3A_80 = tpu.memref_slice %arg10[%run_scoped3A_55, %mul3A_54] : memref<16x10240xi32, #tpu.memory_space<vmem_shared>> -> memref<1x640xi32, #tpu.memory_space<vmem_shared>>
      %dma_start3A_81 = tpu.memref_squeeze %dma_start3A_80 : memref<1x640xi32, #tpu.memory_space<vmem_shared>> -> memref<640xi32, #tpu.memory_space<vmem_shared>>
      tpu.enqueue_dma source(%dma_start3A_81 : memref<640xi32, #tpu.memory_space<vmem_shared>>) target(%dma_start3A_79 : memref<640xi32, #tpu.memory_space<vmem>>) target_semaphore(%run_scoped3A_74 : memref<!tpu.dma_semaphore, #tpu.memory_space<semaphore_mem>>)
      %dma_wait3A = arith.constant 7680 : i32
      %dma_wait3A_82 = tpu.memref_slice %arg8[%dma_wait3A] : memref<10240xi32, #tpu.memory_space<vmem>> -> memref<640xi32, #tpu.memory_space<vmem>>
      %dma_wait3A_83 = tpu.memref_slice %arg10[%run_scoped3A_55, %mul3A_54] : memref<16x10240xi32, #tpu.memory_space<vmem_shared>> -> memref<1x640xi32, #tpu.memory_space<vmem_shared>>
      %dma_wait3A_84 = tpu.memref_squeeze %dma_wait3A_83 : memref<1x640xi32, #tpu.memory_space<vmem_shared>> -> memref<640xi32, #tpu.memory_space<vmem_shared>>
      %dma_wait3A_85 = arith.constant 7680 : i32
      %dma_wait3A_86 = tpu.memref_slice %arg8[%dma_wait3A_85] : memref<10240xi32, #tpu.memory_space<vmem>> -> memref<640xi32, #tpu.memory_space<vmem>>
      %dma_wait3A_87 = tpu.memref_slice %arg10[%run_scoped3A_55, %mul3A_54] : memref<16x10240xi32, #tpu.memory_space<vmem_shared>> -> memref<1x640xi32, #tpu.memory_space<vmem_shared>>
      %dma_wait3A_88 = tpu.memref_squeeze %dma_wait3A_87 : memref<1x640xi32, #tpu.memory_space<vmem_shared>> -> memref<640xi32, #tpu.memory_space<vmem_shared>>
      tpu.wait_dma2 semaphore(%run_scoped3A_74 : memref<!tpu.dma_semaphore, #tpu.memory_space<semaphore_mem>>) src(%dma_wait3A_88 : memref<640xi32, #tpu.memory_space<vmem_shared>>) dst(%dma_wait3A_86 : memref<640xi32, #tpu.memory_space<vmem>>)
      tpu.yield
    }) : () -> ()
    %mul3A_56 = arith.constant 640 : i32
    %mul3A_57 = arith.muli %arg1, %mul3A_56 : i32
    %run_scoped3A_58 = arith.constant 13 : i32
    "tpu.region"() ({
      %run_scoped3A_74 = tpu.sem_alloc : memref<!tpu.dma_semaphore, #tpu.memory_space<semaphore_mem>>
      %dma_start3A = arith.constant 8320 : i32
      %dma_start3A_75 = tpu.memref_slice %arg8[%dma_start3A] : memref<10240xi32, #tpu.memory_space<vmem>> -> memref<640xi32, #tpu.memory_space<vmem>>
      %dma_start3A_76 = tpu.memref_slice %arg10[%run_scoped3A_58, %mul3A_57] : memref<16x10240xi32, #tpu.memory_space<vmem_shared>> -> memref<1x640xi32, #tpu.memory_space<vmem_shared>>
      %dma_start3A_77 = tpu.memref_squeeze %dma_start3A_76 : memref<1x640xi32, #tpu.memory_space<vmem_shared>> -> memref<640xi32, #tpu.memory_space<vmem_shared>>
      %dma_start3A_78 = arith.constant 8320 : i32
      %dma_start3A_79 = tpu.memref_slice %arg8[%dma_start3A_78] : memref<10240xi32, #tpu.memory_space<vmem>> -> memref<640xi32, #tpu.memory_space<vmem>>
      %dma_start3A_80 = tpu.memref_slice %arg10[%run_scoped3A_58, %mul3A_57] : memref<16x10240xi32, #tpu.memory_space<vmem_shared>> -> memref<1x640xi32, #tpu.memory_space<vmem_shared>>
      %dma_start3A_81 = tpu.memref_squeeze %dma_start3A_80 : memref<1x640xi32, #tpu.memory_space<vmem_shared>> -> memref<640xi32, #tpu.memory_space<vmem_shared>>
      tpu.enqueue_dma source(%dma_start3A_81 : memref<640xi32, #tpu.memory_space<vmem_shared>>) target(%dma_start3A_79 : memref<640xi32, #tpu.memory_space<vmem>>) target_semaphore(%run_scoped3A_74 : memref<!tpu.dma_semaphore, #tpu.memory_space<semaphore_mem>>)
      %dma_wait3A = arith.constant 8320 : i32
      %dma_wait3A_82 = tpu.memref_slice %arg8[%dma_wait3A] : memref<10240xi32, #tpu.memory_space<vmem>> -> memref<640xi32, #tpu.memory_space<vmem>>
      %dma_wait3A_83 = tpu.memref_slice %arg10[%run_scoped3A_58, %mul3A_57] : memref<16x10240xi32, #tpu.memory_space<vmem_shared>> -> memref<1x640xi32, #tpu.memory_space<vmem_shared>>
      %dma_wait3A_84 = tpu.memref_squeeze %dma_wait3A_83 : memref<1x640xi32, #tpu.memory_space<vmem_shared>> -> memref<640xi32, #tpu.memory_space<vmem_shared>>
      %dma_wait3A_85 = arith.constant 8320 : i32
      %dma_wait3A_86 = tpu.memref_slice %arg8[%dma_wait3A_85] : memref<10240xi32, #tpu.memory_space<vmem>> -> memref<640xi32, #tpu.memory_space<vmem>>
      %dma_wait3A_87 = tpu.memref_slice %arg10[%run_scoped3A_58, %mul3A_57] : memref<16x10240xi32, #tpu.memory_space<vmem_shared>> -> memref<1x640xi32, #tpu.memory_space<vmem_shared>>
      %dma_wait3A_88 = tpu.memref_squeeze %dma_wait3A_87 : memref<1x640xi32, #tpu.memory_space<vmem_shared>> -> memref<640xi32, #tpu.memory_space<vmem_shared>>
      tpu.wait_dma2 semaphore(%run_scoped3A_74 : memref<!tpu.dma_semaphore, #tpu.memory_space<semaphore_mem>>) src(%dma_wait3A_88 : memref<640xi32, #tpu.memory_space<vmem_shared>>) dst(%dma_wait3A_86 : memref<640xi32, #tpu.memory_space<vmem>>)
      tpu.yield
    }) : () -> ()
    %mul3A_59 = arith.constant 640 : i32
    %mul3A_60 = arith.muli %arg1, %mul3A_59 : i32
    %run_scoped3A_61 = arith.constant 14 : i32
    "tpu.region"() ({
      %run_scoped3A_74 = tpu.sem_alloc : memref<!tpu.dma_semaphore, #tpu.memory_space<semaphore_mem>>
      %dma_start3A = arith.constant 8960 : i32
      %dma_start3A_75 = tpu.memref_slice %arg8[%dma_start3A] : memref<10240xi32, #tpu.memory_space<vmem>> -> memref<640xi32, #tpu.memory_space<vmem>>
      %dma_start3A_76 = tpu.memref_slice %arg10[%run_scoped3A_61, %mul3A_60] : memref<16x10240xi32, #tpu.memory_space<vmem_shared>> -> memref<1x640xi32, #tpu.memory_space<vmem_shared>>
      %dma_start3A_77 = tpu.memref_squeeze %dma_start3A_76 : memref<1x640xi32, #tpu.memory_space<vmem_shared>> -> memref<640xi32, #tpu.memory_space<vmem_shared>>
      %dma_start3A_78 = arith.constant 8960 : i32
      %dma_start3A_79 = tpu.memref_slice %arg8[%dma_start3A_78] : memref<10240xi32, #tpu.memory_space<vmem>> -> memref<640xi32, #tpu.memory_space<vmem>>
      %dma_start3A_80 = tpu.memref_slice %arg10[%run_scoped3A_61, %mul3A_60] : memref<16x10240xi32, #tpu.memory_space<vmem_shared>> -> memref<1x640xi32, #tpu.memory_space<vmem_shared>>
      %dma_start3A_81 = tpu.memref_squeeze %dma_start3A_80 : memref<1x640xi32, #tpu.memory_space<vmem_shared>> -> memref<640xi32, #tpu.memory_space<vmem_shared>>
      tpu.enqueue_dma source(%dma_start3A_81 : memref<640xi32, #tpu.memory_space<vmem_shared>>) target(%dma_start3A_79 : memref<640xi32, #tpu.memory_space<vmem>>) target_semaphore(%run_scoped3A_74 : memref<!tpu.dma_semaphore, #tpu.memory_space<semaphore_mem>>)
      %dma_wait3A = arith.constant 8960 : i32
      %dma_wait3A_82 = tpu.memref_slice %arg8[%dma_wait3A] : memref<10240xi32, #tpu.memory_space<vmem>> -> memref<640xi32, #tpu.memory_space<vmem>>
      %dma_wait3A_83 = tpu.memref_slice %arg10[%run_scoped3A_61, %mul3A_60] : memref<16x10240xi32, #tpu.memory_space<vmem_shared>> -> memref<1x640xi32, #tpu.memory_space<vmem_shared>>
      %dma_wait3A_84 = tpu.memref_squeeze %dma_wait3A_83 : memref<1x640xi32, #tpu.memory_space<vmem_shared>> -> memref<640xi32, #tpu.memory_space<vmem_shared>>
      %dma_wait3A_85 = arith.constant 8960 : i32
      %dma_wait3A_86 = tpu.memref_slice %arg8[%dma_wait3A_85] : memref<10240xi32, #tpu.memory_space<vmem>> -> memref<640xi32, #tpu.memory_space<vmem>>
      %dma_wait3A_87 = tpu.memref_slice %arg10[%run_scoped3A_61, %mul3A_60] : memref<16x10240xi32, #tpu.memory_space<vmem_shared>> -> memref<1x640xi32, #tpu.memory_space<vmem_shared>>
      %dma_wait3A_88 = tpu.memref_squeeze %dma_wait3A_87 : memref<1x640xi32, #tpu.memory_space<vmem_shared>> -> memref<640xi32, #tpu.memory_space<vmem_shared>>
      tpu.wait_dma2 semaphore(%run_scoped3A_74 : memref<!tpu.dma_semaphore, #tpu.memory_space<semaphore_mem>>) src(%dma_wait3A_88 : memref<640xi32, #tpu.memory_space<vmem_shared>>) dst(%dma_wait3A_86 : memref<640xi32, #tpu.memory_space<vmem>>)
      tpu.yield
    }) : () -> ()
    %mul3A_62 = arith.constant 640 : i32
    %mul3A_63 = arith.muli %arg1, %mul3A_62 : i32
    %run_scoped3A_64 = arith.constant 15 : i32
    "tpu.region"() ({
      %run_scoped3A_74 = tpu.sem_alloc : memref<!tpu.dma_semaphore, #tpu.memory_space<semaphore_mem>>
      %dma_start3A = arith.constant 9600 : i32
      %dma_start3A_75 = tpu.memref_slice %arg8[%dma_start3A] : memref<10240xi32, #tpu.memory_space<vmem>> -> memref<640xi32, #tpu.memory_space<vmem>>
      %dma_start3A_76 = tpu.memref_slice %arg10[%run_scoped3A_64, %mul3A_63] : memref<16x10240xi32, #tpu.memory_space<vmem_shared>> -> memref<1x640xi32, #tpu.memory_space<vmem_shared>>
      %dma_start3A_77 = tpu.memref_squeeze %dma_start3A_76 : memref<1x640xi32, #tpu.memory_space<vmem_shared>> -> memref<640xi32, #tpu.memory_space<vmem_shared>>
      %dma_start3A_78 = arith.constant 9600 : i32
      %dma_start3A_79 = tpu.memref_slice %arg8[%dma_start3A_78] : memref<10240xi32, #tpu.memory_space<vmem>> -> memref<640xi32, #tpu.memory_space<vmem>>
      %dma_start3A_80 = tpu.memref_slice %arg10[%run_scoped3A_64, %mul3A_63] : memref<16x10240xi32, #tpu.memory_space<vmem_shared>> -> memref<1x640xi32, #tpu.memory_space<vmem_shared>>
      %dma_start3A_81 = tpu.memref_squeeze %dma_start3A_80 : memref<1x640xi32, #tpu.memory_space<vmem_shared>> -> memref<640xi32, #tpu.memory_space<vmem_shared>>
      tpu.enqueue_dma source(%dma_start3A_81 : memref<640xi32, #tpu.memory_space<vmem_shared>>) target(%dma_start3A_79 : memref<640xi32, #tpu.memory_space<vmem>>) target_semaphore(%run_scoped3A_74 : memref<!tpu.dma_semaphore, #tpu.memory_space<semaphore_mem>>)
      %dma_wait3A = arith.constant 9600 : i32
      %dma_wait3A_82 = tpu.memref_slice %arg8[%dma_wait3A] : memref<10240xi32, #tpu.memory_space<vmem>> -> memref<640xi32, #tpu.memory_space<vmem>>
      %dma_wait3A_83 = tpu.memref_slice %arg10[%run_scoped3A_64, %mul3A_63] : memref<16x10240xi32, #tpu.memory_space<vmem_shared>> -> memref<1x640xi32, #tpu.memory_space<vmem_shared>>
      %dma_wait3A_84 = tpu.memref_squeeze %dma_wait3A_83 : memref<1x640xi32, #tpu.memory_space<vmem_shared>> -> memref<640xi32, #tpu.memory_space<vmem_shared>>
      %dma_wait3A_85 = arith.constant 9600 : i32
      %dma_wait3A_86 = tpu.memref_slice %arg8[%dma_wait3A_85] : memref<10240xi32, #tpu.memory_space<vmem>> -> memref<640xi32, #tpu.memory_space<vmem>>
      %dma_wait3A_87 = tpu.memref_slice %arg10[%run_scoped3A_64, %mul3A_63] : memref<16x10240xi32, #tpu.memory_space<vmem_shared>> -> memref<1x640xi32, #tpu.memory_space<vmem_shared>>
      %dma_wait3A_88 = tpu.memref_squeeze %dma_wait3A_87 : memref<1x640xi32, #tpu.memory_space<vmem_shared>> -> memref<640xi32, #tpu.memory_space<vmem_shared>>
      tpu.wait_dma2 semaphore(%run_scoped3A_74 : memref<!tpu.dma_semaphore, #tpu.memory_space<semaphore_mem>>) src(%dma_wait3A_88 : memref<640xi32, #tpu.memory_space<vmem_shared>>) dst(%dma_wait3A_86 : memref<640xi32, #tpu.memory_space<vmem>>)
      tpu.yield
    }) : () -> ()
    %scan3A_65 = arith.constant 0 : i32
    %scan3A_66 = arith.constant 0 : i32
    %scan3A_67 = arith.constant 40 : i32
    %scan3A_68 = arith.addi %scan3A_66, %scan3A_67 : i32
    %scan3A_69 = arith.constant 1 : i32
    %scan3A_70 = scf.for %scan3A_74 = %scan3A_66 to %scan3A_68 step %scan3A_69 iter_args(%scan3A_75 = %scan3A_65) -> (i32)  : i32 {
      %mul3A_76 = arith.constant 16 : i32
      %mul3A_77 = arith.muli %scan3A_74, %mul3A_76 : i32
      %get3A = arith.index_cast %mul3A_77 : i32 to index
      %get3A_78 = tpu.vector_load %arg8[%get3A] {strides = array<i32>} : memref<10240xi32, #tpu.memory_space<vmem>>, vector<16xi32>,
      %mul3A_79 = arith.constant 16 : i32
      %mul3A_80 = arith.muli %scan3A_74, %mul3A_79 : i32
      %add3A_81 = arith.constant 640 : i32
      %add3A_82 = arith.addi %add3A_81, %mul3A_80 : i32
      %get3A_83 = arith.index_cast %add3A_82 : i32 to index
      %get3A_84 = tpu.vector_load %arg8[%get3A_83] {strides = array<i32>} : memref<10240xi32, #tpu.memory_space<vmem>>, vector<16xi32>,
      %max3A = arith.maxsi %get3A_78, %get3A_84 : vector<16xi32>
      %mul3A_85 = arith.constant 16 : i32
      %mul3A_86 = arith.muli %scan3A_74, %mul3A_85 : i32
      %add3A_87 = arith.constant 1280 : i32
      %add3A_88 = arith.addi %add3A_87, %mul3A_86 : i32
      %get3A_89 = arith.index_cast %add3A_88 : i32 to index
      %get3A_90 = tpu.vector_load %arg8[%get3A_89] {strides = array<i32>} : memref<10240xi32, #tpu.memory_space<vmem>>, vector<16xi32>,
      %max3A_91 = arith.maxsi %max3A, %get3A_90 : vector<16xi32>
      %mul3A_92 = arith.constant 16 : i32
      %mul3A_93 = arith.muli %scan3A_74, %mul3A_92 : i32
      %add3A_94 = arith.constant 1920 : i32
      %add3A_95 = arith.addi %add3A_94, %mul3A_93 : i32
      %get3A_96 = arith.index_cast %add3A_95 : i32 to index
      %get3A_97 = tpu.vector_load %arg8[%get3A_96] {strides = array<i32>} : memref<10240xi32, #tpu.memory_space<vmem>>, vector<16xi32>,
      %max3A_98 = arith.maxsi %max3A_91, %get3A_97 : vector<16xi32>
      %mul3A_99 = arith.constant 16 : i32
      %mul3A_100 = arith.muli %scan3A_74, %mul3A_99 : i32
      %add3A_101 = arith.constant 2560 : i32
      %add3A_102 = arith.addi %add3A_101, %mul3A_100 : i32
      %get3A_103 = arith.index_cast %add3A_102 : i32 to index
      %get3A_104 = tpu.vector_load %arg8[%get3A_103] {strides = array<i32>} : memref<10240xi32, #tpu.memory_space<vmem>>, vector<16xi32>,
      %max3A_105 = arith.maxsi %max3A_98, %get3A_104 : vector<16xi32>
      %mul3A_106 = arith.constant 16 : i32
      %mul3A_107 = arith.muli %scan3A_74, %mul3A_106 : i32
      %add3A_108 = arith.constant 3200 : i32
      %add3A_109 = arith.addi %add3A_108, %mul3A_107 : i32
      %get3A_110 = arith.index_cast %add3A_109 : i32 to index
      %get3A_111 = tpu.vector_load %arg8[%get3A_110] {strides = array<i32>} : memref<10240xi32, #tpu.memory_space<vmem>>, vector<16xi32>,
      %max3A_112 = arith.maxsi %max3A_105, %get3A_111 : vector<16xi32>
      %mul3A_113 = arith.constant 16 : i32
      %mul3A_114 = arith.muli %scan3A_74, %mul3A_113 : i32
      %add3A_115 = arith.constant 3840 : i32
      %add3A_116 = arith.addi %add3A_115, %mul3A_114 : i32
      %get3A_117 = arith.index_cast %add3A_116 : i32 to index
      %get3A_118 = tpu.vector_load %arg8[%get3A_117] {strides = array<i32>} : memref<10240xi32, #tpu.memory_space<vmem>>, vector<16xi32>,
      %max3A_119 = arith.maxsi %max3A_112, %get3A_118 : vector<16xi32>
      %mul3A_120 = arith.constant 16 : i32
      %mul3A_121 = arith.muli %scan3A_74, %mul3A_120 : i32
      %add3A_122 = arith.constant 4480 : i32
      %add3A_123 = arith.addi %add3A_122, %mul3A_121 : i32
      %get3A_124 = arith.index_cast %add3A_123 : i32 to index
      %get3A_125 = tpu.vector_load %arg8[%get3A_124] {strides = array<i32>} : memref<10240xi32, #tpu.memory_space<vmem>>, vector<16xi32>,
      %max3A_126 = arith.maxsi %max3A_119, %get3A_125 : vector<16xi32>
      %mul3A_127 = arith.constant 16 : i32
      %mul3A_128 = arith.muli %scan3A_74, %mul3A_127 : i32
      %add3A_129 = arith.constant 5120 : i32
      %add3A_130 = arith.addi %add3A_129, %mul3A_128 : i32
      %get3A_131 = arith.index_cast %add3A_130 : i32 to index
      %get3A_132 = tpu.vector_load %arg8[%get3A_131] {strides = array<i32>} : memref<10240xi32, #tpu.memory_space<vmem>>, vector<16xi32>,
      %max3A_133 = arith.maxsi %max3A_126, %get3A_132 : vector<16xi32>
      %mul3A_134 = arith.constant 16 : i32
      %mul3A_135 = arith.muli %scan3A_74, %mul3A_134 : i32
      %add3A_136 = arith.constant 5760 : i32
      %add3A_137 = arith.addi %add3A_136, %mul3A_135 : i32
      %get3A_138 = arith.index_cast %add3A_137 : i32 to index
      %get3A_139 = tpu.vector_load %arg8[%get3A_138] {strides = array<i32>} : memref<10240xi32, #tpu.memory_space<vmem>>, vector<16xi32>,
      %max3A_140 = arith.maxsi %max3A_133, %get3A_139 : vector<16xi32>
      %mul3A_141 = arith.constant 16 : i32
      %mul3A_142 = arith.muli %scan3A_74, %mul3A_141 : i32
      %add3A_143 = arith.constant 6400 : i32
      %add3A_144 = arith.addi %add3A_143, %mul3A_142 : i32
      %get3A_145 = arith.index_cast %add3A_144 : i32 to index
      %get3A_146 = tpu.vector_load %arg8[%get3A_145] {strides = array<i32>} : memref<10240xi32, #tpu.memory_space<vmem>>, vector<16xi32>,
      %max3A_147 = arith.maxsi %max3A_140, %get3A_146 : vector<16xi32>
      %mul3A_148 = arith.constant 16 : i32
      %mul3A_149 = arith.muli %scan3A_74, %mul3A_148 : i32
      %add3A_150 = arith.constant 7040 : i32
      %add3A_151 = arith.addi %add3A_150, %mul3A_149 : i32
      %get3A_152 = arith.index_cast %add3A_151 : i32 to index
      %get3A_153 = tpu.vector_load %arg8[%get3A_152] {strides = array<i32>} : memref<10240xi32, #tpu.memory_space<vmem>>, vector<16xi32>,
      %max3A_154 = arith.maxsi %max3A_147, %get3A_153 : vector<16xi32>
      %mul3A_155 = arith.constant 16 : i32
      %mul3A_156 = arith.muli %scan3A_74, %mul3A_155 : i32
      %add3A_157 = arith.constant 7680 : i32
      %add3A_158 = arith.addi %add3A_157, %mul3A_156 : i32
      %get3A_159 = arith.index_cast %add3A_158 : i32 to index
      %get3A_160 = tpu.vector_load %arg8[%get3A_159] {strides = array<i32>} : memref<10240xi32, #tpu.memory_space<vmem>>, vector<16xi32>,
      %max3A_161 = arith.maxsi %max3A_154, %get3A_160 : vector<16xi32>
      %mul3A_162 = arith.constant 16 : i32
      %mul3A_163 = arith.muli %scan3A_74, %mul3A_162 : i32
      %add3A_164 = arith.constant 8320 : i32
      %add3A_165 = arith.addi %add3A_164, %mul3A_163 : i32
      %get3A_166 = arith.index_cast %add3A_165 : i32 to index
      %get3A_167 = tpu.vector_load %arg8[%get3A_166] {strides = array<i32>} : memref<10240xi32, #tpu.memory_space<vmem>>, vector<16xi32>,
      %max3A_168 = arith.maxsi %max3A_161, %get3A_167 : vector<16xi32>
      %mul3A_169 = arith.constant 16 : i32
      %mul3A_170 = arith.muli %scan3A_74, %mul3A_169 : i32
      %add3A_171 = arith.constant 8960 : i32
      %add3A_172 = arith.addi %add3A_171, %mul3A_170 : i32
      %get3A_173 = arith.index_cast %add3A_172 : i32 to index
      %get3A_174 = tpu.vector_load %arg8[%get3A_173] {strides = array<i32>} : memref<10240xi32, #tpu.memory_space<vmem>>, vector<16xi32>,
      %max3A_175 = arith.maxsi %max3A_168, %get3A_174 : vector<16xi32>
      %mul3A_176 = arith.constant 16 : i32
      %mul3A_177 = arith.muli %scan3A_74, %mul3A_176 : i32
      %add3A_178 = arith.constant 9600 : i32
      %add3A_179 = arith.addi %add3A_178, %mul3A_177 : i32
      %get3A_180 = arith.index_cast %add3A_179 : i32 to index
      %get3A_181 = tpu.vector_load %arg8[%get3A_180] {strides = array<i32>} : memref<10240xi32, #tpu.memory_space<vmem>>, vector<16xi32>,
      %max3A_182 = arith.maxsi %max3A_175, %get3A_181 : vector<16xi32>
      %mul3A_183 = arith.constant 16 : i32
      %mul3A_184 = arith.muli %scan3A_74, %mul3A_183 : i32
      %swap3A = arith.index_cast %mul3A_184 : i32 to index
      %swap3A_185 = tpu.vector_load %arg9[%swap3A] {strides = array<i32>} : memref<640xi32, #tpu.memory_space<vmem>>, vector<16xi32>,
      tpu.vector_store %arg9[%swap3A], %max3A_182 {strides = array<i32>} : memref<640xi32, #tpu.memory_space<vmem>>, vector<16xi32>,
      %scan3A_186 = arith.constant 0 : i32
      scf.yield %scan3A_186 : i32
    }
    %scan3A_71 = arith.constant 40 : i32
    %mul3A_72 = arith.constant 640 : i32
    %mul3A_73 = arith.muli %arg1, %mul3A_72 : i32
    "tpu.region"() ({
      %run_scoped3A_74 = tpu.sem_alloc : memref<!tpu.dma_semaphore, #tpu.memory_space<semaphore_mem>>
      %dma_start3A = tpu.memref_slice %arg4[%arg0, %mul3A_73] : memref<2x10240xi32, #tpu.memory_space<hbm>> -> memref<1x640xi32, #tpu.memory_space<hbm>>
      %dma_start3A_75 = tpu.memref_squeeze %dma_start3A : memref<1x640xi32, #tpu.memory_space<hbm>> -> memref<640xi32, #tpu.memory_space<hbm>>
      %dma_start3A_76 = tpu.memref_slice %arg4[%arg0, %mul3A_73] : memref<2x10240xi32, #tpu.memory_space<hbm>> -> memref<1x640xi32, #tpu.memory_space<hbm>>
      %dma_start3A_77 = tpu.memref_squeeze %dma_start3A_76 : memref<1x640xi32, #tpu.memory_space<hbm>> -> memref<640xi32, #tpu.memory_space<hbm>>
      tpu.enqueue_dma source(%arg9 : memref<640xi32, #tpu.memory_space<vmem>>) target(%dma_start3A_77 : memref<640xi32, #tpu.memory_space<hbm>>) target_semaphore(%run_scoped3A_74 : memref<!tpu.dma_semaphore, #tpu.memory_space<semaphore_mem>>)
      %dma_wait3A = tpu.memref_slice %arg4[%arg0, %mul3A_73] : memref<2x10240xi32, #tpu.memory_space<hbm>> -> memref<1x640xi32, #tpu.memory_space<hbm>>
      %dma_wait3A_78 = tpu.memref_squeeze %dma_wait3A : memref<1x640xi32, #tpu.memory_space<hbm>> -> memref<640xi32, #tpu.memory_space<hbm>>
      %dma_wait3A_79 = tpu.memref_slice %arg4[%arg0, %mul3A_73] : memref<2x10240xi32, #tpu.memory_space<hbm>> -> memref<1x640xi32, #tpu.memory_space<hbm>>
      %dma_wait3A_80 = tpu.memref_squeeze %dma_wait3A_79 : memref<1x640xi32, #tpu.memory_space<hbm>> -> memref<640xi32, #tpu.memory_space<hbm>>
      tpu.wait_dma2 semaphore(%run_scoped3A_74 : memref<!tpu.dma_semaphore, #tpu.memory_space<semaphore_mem>>) src(%arg9 : memref<640xi32, #tpu.memory_space<vmem>>) dst(%dma_wait3A_80 : memref<640xi32, #tpu.memory_space<hbm>>)
      tpu.yield
    }) : () -> ()
    return
  }
}

</mosaic_0001>

<sc_bundles>
// kernel: _nbr_partials.3.cloned.1.call-start
scs
__scs_entry_jumppad:
0x0: {  	(pc) =	sbr.rel $0x88, $3  }
0x1: {  	(tag) =	ssettag $0x0;
	lr =	simm.s32 $0x1  }
0x2: {  	[smem:$0x3F9F] =	sst lr;
	_ =	strace $0xD0000000  }
0x3: {  	_ = 	snop  }
0x4: {  	_ = 	snop  }
0x5: {  	_ = 	snop  }
0x6: {  	_ = 	snop  }
0x7: {  	_ = 	snop  }
__scs_overlays_trampoline_lowered:
0x8: {  	[smem:$0x3FAE] =	sst s0  }
0x9: {  	[smem:$0x3FAF] =	sst s1  }
0xa: {  	[smem:$0x3FB0] =	sst s2  }
0xb: {  	[smem:$0x3FB1] =	sst s3  }
0xc: {  	[smem:$0x3FB2] =	sst s4  }
0xd: {  	[smem:$0x3FB3] =	sst s5  }
0xe: {  	[smem:$0x3FB4] =	sst s6  }
0xf: {  	[smem:$0x3FB5] =	sst s7  }
0x10: {  	[smem:$0x3FB6] =	sst s8  }
0x11: {  	[smem:$0x3FB7] =	sst s9;
	s0 =	simm.s32 @!p0 $0x0  }
0x12: {  	s1 =	sld [smem:$0x3F9D];
	s0 =	simm.s32 @p0 $0x1  }
0x13: {  	[smem:$0x3FB8] =	sst s0;
	s0 =	simm.s32 @!p1 $0x0  }
0x14: {  	s2 =	sld [smem:$0x3F9C];
	s0 =	simm.s32 @p1 $0x1  }
0x15: {  	[smem:$0x3FB9] =	sst s0;
	s0 =	simm.s32 @!p2 $0x0  }
0x16: {  	s3 =	sld [smem:$0x3FDB];
	s0 =	simm.s32 @p2 $0x1  }
0x17: {  	s4 =	simm.s32 $0x1BF5;
	[smem:$0x3FBB] =	sst s0  }
0x18: {  	s0 =	sld [smem:$0x3F9E];
	_ =	swait.ge [sflag:s4], $0x0  }
0x19: {  	s7 =	sld [smem:$0x3F9F]  }
0x1a: {  	s8 =	sadd.s32 $0xFFFFE003, lr  }
0x1b: {  	s9 =	sadd.s32 $0xFFFFFEF7, lr;
	s5 =	simm.s32 $0xFFFFFFFF;
	p2 =	slt.u32 s8, $0xFFFFF086  }
0x1c: {  	p1 =	slt.u32 s9, $0xF7A;
	s5 =	simm.s32 @!p2 $0x0  }
0x1d: {  	s5 =	simm.s32 @p1 $0x1;
	p0 =	seq.s32 s7, s2  }
0x1e: {  	s7 =	smul.u32 @!p0 $0xF7A, s2;
	p2 =	seq.s32 @!p0 s5, $0x0  }
0x1f: {  	s9 =	smul.u32 $0xF7A, s1;
	s8 =	simm.s32 @!p0 $0x1BF5;
	p2 =	por !p2, p0  }
0x20: {  	[sflag:s8] =	ssyncset.s32 @!p0 $0xFFFFF086;
	s6 =	sadd.s32 @!p0 s3, s7;
	s7 =	simm.s32 @!p0 $0x108  }
0x21: {  	s3 =	sadd.s32 s3, s9;
	s6 =	sadd.s32 @!p0 $0x88, s6;
	s7 =	simm.s32 @p2 $0x1082  }
0x22: {  	[simem:s7], [sflag:s8] =	dma.local @!p0 [hbm:s6], $0xF7A  }
0x23: {  	s9 =	sor.u32 $0xD0000000, s2;
	s6 =	simm.s32 $0x108;
	_ =	swait.ge @!p0 [sflag:s8], $0x0  }
0x24: {  	s3 =	sadd.s32 $0x88, s3;
	s6 =	simm.s32 @!p1 $0x1082;
	[sflag:s4] =	ssyncset.s32 $0xFFFFF086  }
0x25: {  	[simem:s6], [sflag:s4] =	dma.local [hbm:s3], $0xF7A  }
0x26: {  	[smem:$0x3F9F] =	sst s1;
	(tag) =	ssettag s2;
	_ =	strace s9  }
0x27: {  	s1 =	sld [smem:$0x3FAF]  }
0x28: {  	s2 =	sld [smem:$0x3FB0]  }
0x29: {  	s4 =	sld [smem:$0x3FB2]  }
0x2a: {  	p0 =	seq.s32 s5, $0x0;
	s5 =	sld [smem:$0x3FB3]  }
0x2b: {  	s6 =	sld [smem:$0x3FB4]  }
0x2c: {  	s7 =	sld [smem:$0x3FB5]  }
0x2d: {  	s3 =	simm.s32 $0x108;
	s8 =	sld [smem:$0x3FB6]  }
0x2e: {  	s3 =	simm.s32 @!p0 $0x1082;
	s9 =	sld [smem:$0x3FB7]  }
0x2f: {  	lr =	sadd.s32 s0, s3;
	s0 =	sld [smem:$0x3FAE]  }
0x30: {  	s3 =	sld [smem:$0x3FB1]  }
0x31: {  	[smem:$0x3FBA] =	sst s10  }
0x32: {  	s10 =	sld [smem:$0x3FB8];
	_ =	sdelay $0x3  }
0x33: {  	p0 =	seq.s32 s10, $0x1;
	s10 =	sld [smem:$0x3FBA];
	_ =	sdelay $0x3  }
0x34: {  	[smem:$0x3FBA] =	sst s10  }
0x35: {  	s10 =	sld [smem:$0x3FB9];
	_ =	sdelay $0x3  }
0x36: {  	p1 =	seq.s32 s10, $0x1;
	s10 =	sld [smem:$0x3FBA];
	_ =	sdelay $0x3  }
0x37: {  	[smem:$0x3FBA] =	sst s10  }
0x38: {  	s10 =	sld [smem:$0x3FBB]  }
0x39: {  	_ = 	snop;
	(pc) =	sbr.ind lr, $3  }
0x3a: {  	_ = 	snop  }
0x3b: {  	_ = 	snop  }
0x3c: {  	p2 =	seq.s32 s10, $0x1;
	s10 =	sld [smem:$0x3FBA]  }
0x3d: {  	_ =	shalt  }
0x3e: {  	_ =	shalt  }
0x3f: {  	_ =	shalt  }
0x40: {  	_ =	shalt  }
0x41: {  	_ =	shalt  }
0x42: {  	_ =	shalt  }
0x43: {  	_ =	shalt  }
0x44: {  	_ =	shalt  }
0x45: {  	_ =	shalt  }
0x46: {  	_ =	shalt  }
0x47: {  	_ =	shalt  }
0x48: {  	_ =	shalt  }
0x49: {  	_ =	shalt  }
0x4a: {  	_ =	shalt  }
0x4b: {  	_ =	shalt  }
0x4c: {  	_ =	shalt  }
0x4d: {  	_ =	shalt  }
0x4e: {  	_ =	shalt  }
0x4f: {  	_ =	shalt  }
0x50: {  	_ =	shalt  }
0x51: {  	_ =	shalt  }
0x52: {  	_ =	shalt  }
0x53: {  	_ =	shalt  }
0x54: {  	_ =	shalt  }
0x55: {  	_ =	shalt  }
0x56: {  	_ =	shalt  }
0x57: {  	_ =	shalt  }
0x58: {  	_ =	shalt  }
0x59: {  	_ =	shalt  }
0x5a: {  	_ =	shalt  }
0x5b: {  	_ =	shalt  }
0x5c: {  	_ =	shalt  }
0x5d: {  	_ =	shalt  }
0x5e: {  	_ =	shalt  }
0x5f: {  	_ =	shalt  }
0x60: {  	_ =	shalt  }
0x61: {  	_ =	shalt  }
0x62: {  	_ =	shalt  }
0x63: {  	_ =	shalt  }
0x64: {  	_ =	shalt  }
0x65: {  	_ =	shalt  }
0x66: {  	_ =	shalt  }
0x67: {  	_ =	shalt  }
0x68: {  	_ =	shalt  }
0x69: {  	_ =	shalt  }
0x6a: {  	_ =	shalt  }
0x6b: {  	_ =	shalt  }
0x6c: {  	_ =	shalt  }
0x6d: {  	_ =	shalt  }
0x6e: {  	_ =	shalt  }
0x6f: {  	_ =	shalt  }
0x70: {  	_ =	shalt  }
0x71: {  	_ =	shalt  }
0x72: {  	_ =	shalt  }
0x73: {  	_ =	shalt  }
0x74: {  	_ =	shalt  }
0x75: {  	_ =	shalt  }
0x76: {  	_ =	shalt  }
0x77: {  	_ =	shalt  }
0x78: {  	_ =	shalt  }
0x79: {  	_ =	shalt  }
0x7a: {  	_ =	shalt  }
0x7b: {  	_ =	shalt  }
0x7c: {  	_ =	shalt  }
0x7d: {  	_ =	shalt  }
0x7e: {  	_ =	shalt  }
0x7f: {  	_ =	shalt  }
0x80: {  	_ =	shalt  }
0x81: {  	_ =	shalt  }
0x82: {  	_ =	shalt  }
0x83: {  	_ =	shalt  }
0x84: {  	_ =	shalt  }
0x85: {  	_ =	shalt  }
0x86: {  	_ =	shalt  }
0x87: {  	_ =	shalt  }
.Lfunc_end0:
.L_simem_size_0:
called_computation_lowered:
.L_overlay_start_0:
0x88: {  	s2 =	sld [smem:$0x3FD9]  }
0x89: {  	s3 =	sld [smem:$0x3FFE];
	_ =	sdelay $0x1  }
0x8a: {  	s1 =	srdreg.scid  }
0x8b: {  	s0 =	sand.u32 $0x1, s1  }
0x8c: {  	s18 =	sshll.u32 s0, $0xA;
	s2 =	sadd.s32 s3, s2  }
0x8d: {  	s2 =	sadd.s32 s2, s18  }
0x8e: {  	[smem:$0x3FC6] =	sst s2  }
0x8f: {  	_ = 	snop  }
0x90: {  	s2 =	sld [smem:$0x3FC9]  }
0x91: {  	s19 =	sld [smem:$0x3FC8]  }
0x92: {  	s4 =	sld [smem:$0x3FD0];
	(tm) =	ssettm $0x1  }
0x93: {  	s5 =	sld [smem:$0x3FFB];
	_ =	sdelay $0x3  }
0x94: {  	_ =	strace s5  }
0x95: {  	s5 =	sld [smem:$0x3FFC];
	_ =	sdelay $0x3  }
0x96: {  	_ =	strace s5  }
0x97: {  	s5 =	sld [smem:$0x3FFD];
	_ =	sdelay $0x3  }
0x98: {  	_ =	strace s5  }
0x99: {  	_ =	strace $0x8FFFFFFF  }
0x9a: {  	s20 =	sld [smem:$0x3FDB];
	_ =	sdelay $0x1  }
0x9b: {  	s6 =	simm.s32 $_scs_section_size  }
0x9c: {  	s7 =	simm.s32 $_size__tile_overlayer_lowered;
	s8 =	simm.s32 $_tile_overlayer_lowered  }
0x9d: {  	s23 =	simm.s32 $0x1BFF;
	s22 =	sshll.u32 s8, $0x1;
	s5 =	sadd.s32 s6, s20  }
0x9e: {  	s9 =	simm.s32 $0x0;
	s21 =	sshll.u32 s7, $0x1;
	s7 =	sadd.s32 s22, s5  }
0x9f: {  	[timem:s9], [sflag:s23] =	dma.local [hbm:s7], s21  }
0xa0: {  	_ =	swait.ge [sflag:s23], s21  }
0xa1: {  	s6 =	ssub.s32 $0x0, s21;
	[sflag:s23] =	ssyncset.done $0x0  }
0xa2: {  	[sflag:s23] =	ssyncadd.s32 s6;
	_ =	sdelay $0x1  }
0xa3: {  	s24 =	simm.s32 $0x1B8B  }
0xa4: {  	_ =	swait.ge [sflag:s24], $0x1  }
0xa5: {  	[sflag:s24] =	ssyncset.done $0x0  }
0xa6: {  	s25 =	simm.s32 $0x1B8E;
	[sflag:s24] =	ssyncadd.s32 $0xFFFFFFFF  }
0xa7: {  	s26 =	simm.s32 $execute0_lowered;
	[smem:$0x3FD2] =	sst s25  }
0xa8: {  	s6 =	sshll.u32 s26, $0x1;
	_ =	strace $0x80000046;
	[dreg:$0x1] =	wrdreg $0xFFFFFFFF  }
0xa9: {  	s28 =	simm.s32 $_size_execute0_lowered;
	s5 =	sadd.s32 s5, s6;
	[dreg:$0x0] =	wrdreg $0x0  }
0xaa: {  	s6 =	sshll.u32 s28, $0x1;
	[dreg:$0x2] =	wrdreg s5  }
0xab: {  	[dreg:$0x3] =	wrdreg s6  }
0xac: {  	[dreg:$0x4] =	wrdreg $0xC0  }
0xad: {  	_ =	task [dreg:s9], $0x5FFFF  }
0xae: {  	[dreg:$0x1] =	wrdreg $0xFFFFFFFF  }
0xaf: {  	[dreg:$0x0] =	wrdreg $0x60  }
0xb0: {  	[dreg:$0x2] =	wrdreg s2  }
0xb1: {  	[dreg:$0x3] =	wrdreg s19  }
0xb2: {  	[dreg:$0x4] =	wrdreg s4  }
0xb3: {  	[dreg:$0x5] =	wrdreg $0xA1800  }
0xb4: {  	[dreg:$0x6] =	wrdreg $0x9  }
0xb5: {  	_ =	task.clear_ibuf [dreg:s9], $0x7FFFF;
	_ =	strace $0x90000046  }
0xb6: {  	s29 =	simm.s32 $0x9;
	_ =	strace $0x80000048  }
0xb7: {  	_ =	swait.ge [sflag:s29], $0x1  }
0xb8: {  	[sflag:s29] =	ssyncadd.s32 $0xFFFFFFFF  }
0xb9: {  	_ =	strace $0x90000048  }
0xba: {  	_ =	sfence  }
0xbb: {  	s30 =	sld [smem:$0x0];
	_ =	sdelay $0x2  }
0xbc: {  	s31 =	sshll.u32 s1, $0xD;
	s1 =	sshrl.u32 s1, $0x2  }
0xbd: {  	s3 =	sand.u32 $0x4000, s31;
	s1 =	sadd.s32 s1, s30  }
0xbe: {  	s0 =	sor.u32 s3, s0;
	s1 =	sshll.u32 s1, $0x11  }
0xbf: {  	s0 =	sor.u32 s1, s0  }
0xc0: {  	s0 =	sadd.s32 $0x8F2B, s0  }
0xc1: {  	[sflag:s0] =	ssyncadd.remote.s32 $0x1  }
0xc2: {  	_ =	sfence.sel $0xFFFF  }
0xc3: {  	[dreg:$0x0] =	wrdreg $0xFFFFFFFF;
	(pc) =	sbr.abs _section_cstart, $3  }
0xc4: {  	[dreg:$0x1] =	wrdreg $0xFFFFFFFF  }
0xc5: {  	_ =	task.clear_ibuf [dreg:s9], $0x2FFFF;
	_ =	strace $0x9FFFFFFF  }
0xc6: {  	(tm) =	ssettm $0x7FFFFFFF  }
0xc7: {  	_ =	shalt  }
tec
execute0_lowered:
.L_overlay_start_1:
0x0: {  	(tag) =	ssettag $0x1  }
0x1: {  	s0 =	rddreg [dreg:$0x0]  }
0x2: {  	s1 =	rddreg [dreg:$0x1]  }
0x3: {  	s22 =	rddreg [dreg:$0x2];
	s2 =	srdreg.scid  }
0x4: {  	s14 =	stileid.u32;
	s5 =	rddreg [dreg:$0x3]  }
0x5: {  	s28 =	simm.s32 $0x80;
	s29 =	simm.s32 $0x400;
	s16 =	sand.u32 $0x1, s2  }
0x6: {  	s20 =	sshll.u32 s14, $0x1;
	s2 =	simm.s32 $0x0;
	s8 =	smul.u32 $0x5000, s14  }
0x7: {  	s21 =	sshrl.u32 s14, $0x3;
	s24 =	sshll.u32 s14, $0x7;
	s30 =	smul.u32 $0x500, s14  }
0x8: {  	s3 =	sor.u32 s16, s20;
	[smem:$0x7FF] =	sst s2;
	s7 =	smul.u32 $0x50000, s21  }
0x9: {  	s6 =	ssub.s32 $0x2, s16;
	s31 =	sshll.u32 s16, $0x7;
	s4 =	smul.u32 $0x4E2, s3  }
0xa: {  	_ =	strace $0x80000047;
	s23 =	sshrl.u32 s6, $0x1;
	s26 =	sshrl.u32 s8, $0x2  }
0xb: {  	s23 =	ssub.s32 s6, s23;
	s25 =	sshrl.u32 s7, $0x2;
	s3 =	sadd.s32 s0, s4  }
0xc: {  	s4 =	sadd.s32 s1, s4;
	s0 =	sand.u32 $0x380, s24;
	s1 =	sadd.s32 s25, s5  }
0xd: {  	s5 =	sadd.s32 s26, s5;
	s23 =	smax.u32 s23, $0x1;
	s24 =	simm.s32 $0x1  }
0xe: {  	s26 =	simm.s32 $0x4F00;
	s6 =	sadd.s32 s0, s1;
	s7 =	sadd.s32 $0x80, s5  }
0xf: {  	v0 =	vimm.s32 $0xFFEDCBA9;
	v1 =	vimm.s32 $0x87654321;
	s8 =	sadd.s32 $0x100, s5;
	s9 =	sadd.s32 $0x180, s5;
	s10 =	sadd.s32 $0x200, s5  }
0x10: {  	v0 =	vunpack.c.l.s4.s8 v0;
	v1 =	vunpack.c.l.s4.s8 v1;
	s11 =	sadd.s32 $0x280, s5;
	s12 =	sadd.s32 $0x300, s5;
	s13 =	sadd.s32 $0x380, s5  }
0x11: {  	s14 =	sadd.s32 $0x14000, s5;
	s15 =	sadd.s32 $0x14080, s5;
	s16 =	sadd.s32 $0x14100, s5  }
0x12: {  	v2 =	vunpack.c.0.s8.s32 v0;
	v1 =	vunpack.c.0.s8.s32 v1;
	s17 =	sadd.s32 $0x14180, s5;
	s0 =	sor.u32 s31, s30;
	s18 =	sadd.s32 $0x14200, s5  }
0x13: {  	s19 =	sadd.s32 $0x14280, s5;
	s20 =	sadd.s32 $0x14300, s5;
	s0 =	sshrl.u32 s0, $0x3  }
0x14: {  	vm0 =	vcmask $0x3F3C;
	v0 =	vimm.s32 $0x0;
	v1 =	vcombine.low v1, v2;
	s21 =	sadd.s32 $0x14380, s5;
	s1 =	simm.s32 $0x0;
	s22 =	sadd.s32 s22, s0  }
.LBB2_1:
0x15: {  	[tilespmem:s2], [sflag:$0x1] =	stream.linear.gather [hbm4b:s3+s2], $0x2710, $0x38;
	[tilespmem:$0xC980] =	vst v63  }
0x16: {  	_ =	swait.ge [sflag:s24], $0x2710  }
0x17: {  	[sflag:s24] =	ssyncset.done $0x0  }
0x18: {  	s0 =	simm.s32 $0x2780;
	[sflag:s24] =	ssyncadd.s32 $0xFFFFD8F0  }
0x19: {  	[tilespmem:s0], [sflag:$0x1] =	stream.linear.gather [hbm4b:s4+s2], $0x2710, $0x38;
	[tilespmem:$0xC980] =	vst v63  }
0x1a: {  	_ =	swait.ge [sflag:s24], $0x2710  }
0x1b: {  	[sflag:s24] =	ssyncset.done $0x0  }
0x1c: {  	s0 =	simm.s32 $0x0;
	[sflag:s24] =	ssyncadd.s32 $0xFFFFD8F0  }
.LBB2_2:
0x1d: {  	p0 =	sne.s32 s0, $0x9FC0  }
.Ltmp0:
0x1e: {  	_ = 	snop;
	(pc) =	sbr.rel @p0 .LBB2_2-.Ltmp0, $3  }
0x1f: {  	_ =	sdelay $0x1  }
0x20: {  	s25 =	sshra.s32 s0, $0x2  }
0x21: {  	s0 =	sadd.s32 $0x40, s0;
	[tilespmem:s25+$0x4F00] =	vst v0  }
0x22: {  	s25 =	simm.s32 $0x0;
	s0 =	simm.s32 $0x40  }
.LBB2_4:
0x23: {  	p0 =	sne.s32 s0, $0x9C00;
	v2 =	vld [tilespmem:s25+$0x0]  }
0x24: {  	v3 =	vld [tilespmem:s25+$0x2780];
	_ =	sdelay $0x3  }
0x25: {  	v2 =	vshll.u32 v2, $0xE  }
0x26: {  	v2 =	vadd.s32 v3, v2  }
0x27: {  	v2 =	vxor.u32 $0x80000000, v2  }
0x28: {  	(xrf1) =	vsort.ascd.msk.u32 $0xffff, v2, v3;
	_ =	sdelay $0xd  }
0x29: {  	v2, _, _ =	vpop (xrf1)  }
0x2a: {  	v3 =	vshrl.u32 v2, $0xE  }
0x2b: {  	v4 =	vxor.u32 $0x20000, v3  }
0x2c: {  	v5 =	vperm.xlane v4, v1;
	_ =	sdelay $0x1  }
0x2d: {  	vm1 =	vne.s32 v4, v5  }
0x2e: {  	v3 =	vand.u32 $0x7F, v3;
	v4 =	vand.u32 $0x3FF80, v4;
	vm1 =	vmor vm1, vm0  }
0x2f: {  	v3 =	vor.u32 v3, v4;
	_ =	sdelay $0x4  }
0x30: {  	v4 =	vld.idx.msk [tilespmem:v3+s26+$0x0], vm1;
	_ =	sdelay $0x3  }
.Ltmp1:
0x31: {  	(pc) =	sbr.rel @p0 .LBB2_4-.Ltmp1, $4  }
0x32: {  	v2 =	vand.u32 $0x3FFF, v2  }
0x33: {  	vm2 =	vgt.s32 v4, v2  }
0x34: {  	v2 =	vsel vm2, v4, v2  }
0x35: {  	s25 =	sshra.s32 s0, $0x2;
	s0 =	sadd.s32 $0x40, s0;
	[tilespmem:v3+s26+$0x0] =	vst.idx.msk vm1, v2  }
0x36: {  	v2 =	vld [tilespmem:s25+$0x0]  }
0x37: {  	v3 =	vld [tilespmem:s25+$0x2780];
	_ =	sdelay $0x3  }
0x38: {  	v2 =	vshll.u32 v2, $0xE  }
0x39: {  	v2 =	vadd.s32 v3, v2  }
0x3a: {  	v2 =	vxor.u32 $0x80000000, v2  }
0x3b: {  	(xrf1) =	vsort.ascd.msk.u32 $0xffff, v2, v3;
	_ =	sdelay $0xd  }
0x3c: {  	v2, _, _ =	vpop (xrf1)  }
0x3d: {  	v3 =	vshrl.u32 v2, $0xE  }
0x3e: {  	v4 =	vxor.u32 $0x20000, v3  }
0x3f: {  	v5 =	vperm.xlane v4, v1;
	_ =	sdelay $0x1  }
0x40: {  	vm1 =	vne.s32 v4, v5  }
0x41: {  	v3 =	vand.u32 $0x7F, v3;
	v4 =	vand.u32 $0x3FF80, v4;
	vm1 =	vmor vm1, vm0  }
0x42: {  	v3 =	vor.u32 v3, v4;
	_ =	sdelay $0x4  }
0x43: {  	v4 =	vld.idx.msk [tilespmem:v3+s26+$0x0], vm1;
	_ =	sdelay $0x3  }
0x44: {  	v2 =	vand.u32 $0x3FFF, v2  }
0x45: {  	vm2 =	vgt.s32 v4, v2  }
0x46: {  	v2 =	vsel vm2, v4, v2  }
0x47: {  	[tilespmem:v3+s26+$0x0] =	vst.idx.msk vm1, v2  }
0x48: {  	[spmem:s6] =	stream.strided.scatter [tilespmem:s26], [sflag:$0x1], $0x2800, s29, s28, $0x38;
	[tilespmem:$0xC980] =	vst v63  }
0x49: {  	_ =	swait.ge [sflag:s24], $0x2800  }
0x4a: {  	[sflag:s24] =	ssyncset.done $0x0  }
0x4b: {  	[sflag:s24] =	ssyncadd.s32 $0xFFFFD800  }
0x4c: {  	s0 =	simm.s32 $0x7700;
	[bflag:$0x0] =	sbarrier.arrive $0xFFFF  }
0x4d: {  	[tilespmem:s0], [sflag:$0x1] =	stream.strided.gather [spmem:s5], $0x280, s29, s28, $0x38;
	[tilespmem:$0xC980] =	vst v63  }
0x4e: {  	_ =	swait.ge [sflag:s24], $0x280  }
0x4f: {  	[sflag:s24] =	ssyncset.done $0x0  }
0x50: {  	s25 =	simm.s32 $0x7980;
	[sflag:s24] =	ssyncadd.s32 $0xFFFFFD80  }
0x51: {  	[tilespmem:s25], [sflag:$0x1] =	stream.strided.gather [spmem:s7], $0x280, s29, s28, $0x38;
	[tilespmem:$0xC980] =	vst v63  }
0x52: {  	_ =	swait.ge [sflag:s24], $0x280  }
0x53: {  	[sflag:s24] =	ssyncset.done $0x0  }
0x54: {  	s25 =	simm.s32 $0x7C00;
	[sflag:s24] =	ssyncadd.s32 $0xFFFFFD80  }
0x55: {  	[tilespmem:s25], [sflag:$0x1] =	stream.strided.gather [spmem:s8], $0x280, s29, s28, $0x38;
	[tilespmem:$0xC980] =	vst v63  }
0x56: {  	_ =	swait.ge [sflag:s24], $0x280  }
0x57: {  	[sflag:s24] =	ssyncset.done $0x0  }
0x58: {  	s25 =	simm.s32 $0x7E80;
	[sflag:s24] =	ssyncadd.s32 $0xFFFFFD80  }
0x59: {  	[tilespmem:s25], [sflag:$0x1] =	stream.strided.gather [spmem:s9], $0x280, s29, s28, $0x38;
	[tilespmem:$0xC980] =	vst v63  }
0x5a: {  	_ =	swait.ge [sflag:s24], $0x280  }
0x5b: {  	[sflag:s24] =	ssyncset.done $0x0  }
0x5c: {  	s25 =	simm.s32 $0x8100;
	[sflag:s24] =	ssyncadd.s32 $0xFFFFFD80  }
0x5d: {  	[tilespmem:s25], [sflag:$0x1] =	stream.strided.gather [spmem:s10], $0x280, s29, s28, $0x38;
	[tilespmem:$0xC980] =	vst v63  }
0x5e: {  	_ =	swait.ge [sflag:s24], $0x280  }
0x5f: {  	[sflag:s24] =	ssyncset.done $0x0  }
0x60: {  	s25 =	simm.s32 $0x8380;
	[sflag:s24] =	ssyncadd.s32 $0xFFFFFD80  }
0x61: {  	[tilespmem:s25], [sflag:$0x1] =	stream.strided.gather [spmem:s11], $0x280, s29, s28, $0x38;
	[tilespmem:$0xC980] =	vst v63  }
0x62: {  	_ =	swait.ge [sflag:s24], $0x280  }
0x63: {  	[sflag:s24] =	ssyncset.done $0x0  }
0x64: {  	s25 =	simm.s32 $0x8600;
	[sflag:s24] =	ssyncadd.s32 $0xFFFFFD80  }
0x65: {  	[tilespmem:s25], [sflag:$0x1] =	stream.strided.gather [spmem:s12], $0x280, s29, s28, $0x38;
	[tilespmem:$0xC980] =	vst v63  }
0x66: {  	_ =	swait.ge [sflag:s24], $0x280  }
0x67: {  	[sflag:s24] =	ssyncset.done $0x0  }
0x68: {  	s25 =	simm.s32 $0x8880;
	[sflag:s24] =	ssyncadd.s32 $0xFFFFFD80  }
0x69: {  	[tilespmem:s25], [sflag:$0x1] =	stream.strided.gather [spmem:s13], $0x280, s29, s28, $0x38;
	[tilespmem:$0xC980] =	vst v63  }
0x6a: {  	_ =	swait.ge [sflag:s24], $0x280  }
0x6b: {  	[sflag:s24] =	ssyncset.done $0x0  }
0x6c: {  	s25 =	simm.s32 $0x8B00;
	[sflag:s24] =	ssyncadd.s32 $0xFFFFFD80  }
0x6d: {  	[tilespmem:s25], [sflag:$0x1] =	stream.strided.gather [spmem:s14], $0x280, s29, s28, $0x38;
	[tilespmem:$0xC980] =	vst v63  }
0x6e: {  	_ =	swait.ge [sflag:s24], $0x280  }
0x6f: {  	[sflag:s24] =	ssyncset.done $0x0  }
0x70: {  	s25 =	simm.s32 $0x8D80;
	[sflag:s24] =	ssyncadd.s32 $0xFFFFFD80  }
0x71: {  	[tilespmem:s25], [sflag:$0x1] =	stream.strided.gather [spmem:s15], $0x280, s29, s28, $0x38;
	[tilespmem:$0xC980] =	vst v63  }
0x72: {  	_ =	swait.ge [sflag:s24], $0x280  }
0x73: {  	[sflag:s24] =	ssyncset.done $0x0  }
0x74: {  	s25 =	simm.s32 $0x9000;
	[sflag:s24] =	ssyncadd.s32 $0xFFFFFD80  }
0x75: {  	[tilespmem:s25], [sflag:$0x1] =	stream.strided.gather [spmem:s16], $0x280, s29, s28, $0x38;
	[tilespmem:$0xC980] =	vst v63  }
0x76: {  	_ =	swait.ge [sflag:s24], $0x280  }
0x77: {  	[sflag:s24] =	ssyncset.done $0x0  }
0x78: {  	s25 =	simm.s32 $0x9280;
	[sflag:s24] =	ssyncadd.s32 $0xFFFFFD80  }
0x79: {  	[tilespmem:s25], [sflag:$0x1] =	stream.strided.gather [spmem:s17], $0x280, s29, s28, $0x38;
	[tilespmem:$0xC980] =	vst v63  }
0x7a: {  	_ =	swait.ge [sflag:s24], $0x280  }
0x7b: {  	[sflag:s24] =	ssyncset.done $0x0  }
0x7c: {  	s25 =	simm.s32 $0x9500;
	[sflag:s24] =	ssyncadd.s32 $0xFFFFFD80  }
0x7d: {  	[tilespmem:s25], [sflag:$0x1] =	stream.strided.gather [spmem:s18], $0x280, s29, s28, $0x38;
	[tilespmem:$0xC980] =	vst v63  }
0x7e: {  	_ =	swait.ge [sflag:s24], $0x280  }
0x7f: {  	[sflag:s24] =	ssyncset.done $0x0  }
0x80: {  	s25 =	simm.s32 $0x9780;
	[sflag:s24] =	ssyncadd.s32 $0xFFFFFD80  }
0x81: {  	[tilespmem:s25], [sflag:$0x1] =	stream.strided.gather [spmem:s19], $0x280, s29, s28, $0x38;
	[tilespmem:$0xC980] =	vst v63  }
0x82: {  	_ =	swait.ge [sflag:s24], $0x280  }
0x83: {  	[sflag:s24] =	ssyncset.done $0x0  }
0x84: {  	s25 =	simm.s32 $0x9A00;
	[sflag:s24] =	ssyncadd.s32 $0xFFFFFD80  }
0x85: {  	[tilespmem:s25], [sflag:$0x1] =	stream.strided.gather [spmem:s20], $0x280, s29, s28, $0x38;
	[tilespmem:$0xC980] =	vst v63  }
0x86: {  	_ =	swait.ge [sflag:s24], $0x280  }
0x87: {  	[sflag:s24] =	ssyncset.done $0x0  }
0x88: {  	s25 =	simm.s32 $0x9C80;
	[sflag:s24] =	ssyncadd.s32 $0xFFFFFD80  }
0x89: {  	[tilespmem:s25], [sflag:$0x1] =	stream.strided.gather [spmem:s21], $0x280, s29, s28, $0x38;
	[tilespmem:$0xC980] =	vst v63  }
0x8a: {  	_ =	swait.ge [sflag:s24], $0x280  }
0x8b: {  	s25 =	simm.s32 $0x0;
	[sflag:s24] =	ssyncset.done $0x0  }
0x8c: {  	s25 =	sand.u32 $0x3F0, s25;
	[sflag:s24] =	ssyncadd.s32 $0xFFFFFD80  }
0x8d: {  	v2 =	vld [tilespmem:s25+$0x7980]  }
0x8e: {  	v3 =	vld [tilespmem:s0+$0x0];
	_ =	sdelay $0x1  }
0x8f: {  	v54 =	vld [tilespmem:s25+$0x7C00];
	_ =	sdelay $0x1  }
0x90: {  	v55 =	vld [tilespmem:s25+$0x7E80]  }
0x91: {  	vm1 =	vgt.s32 v3, v2  }
0x92: {  	v2 =	vsel vm1, v3, v2;
	v3 =	vld [tilespmem:s25+$0x8100]  }
0x93: {  	vm1 =	vgt.s32 v2, v54  }
0x94: {  	v56 =	vld [tilespmem:s25+$0x8380];
	v2 =	vsel vm1, v2, v54  }
0x95: {  	vm1 =	vgt.s32 v2, v55  }
0x96: {  	v57 =	vld [tilespmem:s25+$0x8600];
	v2 =	vsel vm1, v2, v55  }
0x97: {  	vm1 =	vgt.s32 v2, v3  }
0x98: {  	v2 =	vsel vm1, v2, v3;
	v3 =	vld [tilespmem:s25+$0x8880]  }
0x99: {  	vm1 =	vgt.s32 v2, v56  }
0x9a: {  	v58 =	vld [tilespmem:s25+$0x8B00];
	v2 =	vsel vm1, v2, v56  }
0x9b: {  	vm1 =	vgt.s32 v2, v57  }
0x9c: {  	v59 =	vld [tilespmem:s25+$0x8D80];
	v2 =	vsel vm1, v2, v57  }
0x9d: {  	vm1 =	vgt.s32 v2, v3  }
0x9e: {  	v2 =	vsel vm1, v2, v3;
	v3 =	vld [tilespmem:s25+$0x9000]  }
0x9f: {  	vm1 =	vgt.s32 v2, v58  }
0xa0: {  	v60 =	vld [tilespmem:s25+$0x9280];
	v2 =	vsel vm1, v2, v58  }
0xa1: {  	vm1 =	vgt.s32 v2, v59  }
0xa2: {  	v61 =	vld [tilespmem:s25+$0x9500];
	v2 =	vsel vm1, v2, v59  }
0xa3: {  	vm1 =	vgt.s32 v2, v3  }
0xa4: {  	v2 =	vsel vm1, v2, v3;
	v3 =	vld [tilespmem:s25+$0x9780]  }
0xa5: {  	vm1 =	vgt.s32 v2, v60  }
0xa6: {  	v62 =	vld [tilespmem:s25+$0x9A00];
	v2 =	vsel vm1, v2, v60  }
0xa7: {  	vm1 =	vgt.s32 v2, v61  }
0xa8: {  	v63 =	vld [tilespmem:s25+$0x9C80];
	v2 =	vsel vm1, v2, v61  }
0xa9: {  	vm1 =	vgt.s32 v2, v3  }
0xaa: {  	v2 =	vsel vm1, v2, v3  }
0xab: {  	vm1 =	vgt.s32 v2, v62  }
0xac: {  	v2 =	vsel vm1, v2, v62  }
0xad: {  	vm1 =	vgt.s32 v2, v63  }
0xae: {  	s0 =	simm.s32 $0x9F00;
	s25 =	simm.s32 $0x10;
	v2 =	vsel vm1, v2, v63  }
0xaf: {  	s25 =	sand.u32 $0x3F0, s25;
	[tilespmem:s0+$0x0] =	vst v2  }
0xb0: {  	s31 =	simm.s32 $0x20;
	s30 =	simm.s32 $0x7710;
	v2 =	vld [tilespmem:s25+$0x7980]  }
.LBB2_6:
0xb1: {  	p0 =	sne.s32 s31, $0x270;
	v3 =	vld [tilespmem:s30+$0x0];
	_ =	sdelay $0x1  }
0xb2: {  	v4 =	vld [tilespmem:s25+$0x7C00];
	_ =	sdelay $0x1  }
0xb3: {  	v5 =	vld [tilespmem:s25+$0x7E80]  }
0xb4: {  	vm1 =	vgt.s32 v3, v2  }
0xb5: {  	v2 =	vsel vm1, v3, v2;
	v3 =	vld [tilespmem:s25+$0x8100]  }
0xb6: {  	vm1 =	vgt.s32 v2, v4  }
0xb7: {  	v2 =	vsel vm1, v2, v4;
	v4 =	vld [tilespmem:s25+$0x8380]  }
0xb8: {  	vm1 =	vgt.s32 v2, v5  }
0xb9: {  	v2 =	vsel vm1, v2, v5;
	v5 =	vld [tilespmem:s25+$0x8600]  }
0xba: {  	vm1 =	vgt.s32 v2, v3  }
0xbb: {  	v2 =	vsel vm1, v2, v3;
	v3 =	vld [tilespmem:s25+$0x8880]  }
0xbc: {  	vm1 =	vgt.s32 v2, v4  }
0xbd: {  	v2 =	vsel vm1, v2, v4;
	v4 =	vld [tilespmem:s25+$0x8B00]  }
0xbe: {  	vm1 =	vgt.s32 v2, v5  }
0xbf: {  	v2 =	vsel vm1, v2, v5;
	v5 =	vld [tilespmem:s25+$0x8D80]  }
0xc0: {  	vm1 =	vgt.s32 v2, v3  }
0xc1: {  	v2 =	vsel vm1, v2, v3;
	v3 =	vld [tilespmem:s25+$0x9000]  }
0xc2: {  	vm1 =	vgt.s32 v2, v4  }
0xc3: {  	v2 =	vsel vm1, v2, v4;
	v4 =	vld [tilespmem:s25+$0x9280]  }
0xc4: {  	vm1 =	vgt.s32 v2, v5  }
0xc5: {  	v2 =	vsel vm1, v2, v5;
	v5 =	vld [tilespmem:s25+$0x9500]  }
0xc6: {  	vm1 =	vgt.s32 v2, v3  }
0xc7: {  	v2 =	vsel vm1, v2, v3;
	v3 =	vld [tilespmem:s25+$0x9780]  }
0xc8: {  	vm1 =	vgt.s32 v2, v4  }
0xc9: {  	v2 =	vsel vm1, v2, v4;
	v4 =	vld [tilespmem:s25+$0x9A00]  }
0xca: {  	vm1 =	vgt.s32 v2, v5  }
0xcb: {  	v2 =	vsel vm1, v2, v5;
	v5 =	vld [tilespmem:s25+$0x9C80]  }
0xcc: {  	vm1 =	vgt.s32 v2, v3  }
0xcd: {  	v2 =	vsel vm1, v2, v3  }
0xce: {  	vm1 =	vgt.s32 v2, v4  }
.Ltmp2:
0xcf: {  	v2 =	vsel vm1, v2, v4;
	(pc) =	sbr.rel @p0 .LBB2_6-.Ltmp2, $4  }
0xd0: {  	vm1 =	vgt.s32 v2, v5  }
0xd1: {  	s0 =	sadd.s32 $0x10, s0;
	v2 =	vsel vm1, v2, v5  }
0xd2: {  	s25 =	sand.u32 $0x3F0, s31;
	[tilespmem:s0+$0x0] =	vst v2  }
0xd3: {  	s30 =	sadd.s32 $0x10, s30;
	s31 =	sadd.s32 $0x10, s31;
	v2 =	vld [tilespmem:s25+$0x7980]  }
0xd4: {  	v3 =	vld [tilespmem:s30+$0x0];
	_ =	sdelay $0x1  }
0xd5: {  	v4 =	vld [tilespmem:s25+$0x7C00];
	_ =	sdelay $0x1  }
0xd6: {  	v5 =	vld [tilespmem:s25+$0x7E80]  }
0xd7: {  	vm1 =	vgt.s32 v3, v2  }
0xd8: {  	v2 =	vsel vm1, v3, v2;
	v3 =	vld [tilespmem:s25+$0x8100]  }
0xd9: {  	vm1 =	vgt.s32 v2, v4  }
0xda: {  	v56 =	vld [tilespmem:s25+$0x8380];
	v2 =	vsel vm1, v2, v4  }
0xdb: {  	vm1 =	vgt.s32 v2, v5  }
0xdc: {  	v57 =	vld [tilespmem:s25+$0x8600];
	v2 =	vsel vm1, v2, v5  }
0xdd: {  	vm1 =	vgt.s32 v2, v3  }
0xde: {  	v2 =	vsel vm1, v2, v3;
	v3 =	vld [tilespmem:s25+$0x8880]  }
0xdf: {  	vm1 =	vgt.s32 v2, v56  }
0xe0: {  	v58 =	vld [tilespmem:s25+$0x8B00];
	v2 =	vsel vm1, v2, v56  }
0xe1: {  	vm1 =	vgt.s32 v2, v57  }
0xe2: {  	v59 =	vld [tilespmem:s25+$0x8D80];
	v2 =	vsel vm1, v2, v57  }
0xe3: {  	vm1 =	vgt.s32 v2, v3  }
0xe4: {  	v2 =	vsel vm1, v2, v3;
	v3 =	vld [tilespmem:s25+$0x9000]  }
0xe5: {  	vm1 =	vgt.s32 v2, v58  }
0xe6: {  	v60 =	vld [tilespmem:s25+$0x9280];
	v2 =	vsel vm1, v2, v58  }
0xe7: {  	vm1 =	vgt.s32 v2, v59  }
0xe8: {  	v61 =	vld [tilespmem:s25+$0x9500];
	v2 =	vsel vm1, v2, v59  }
0xe9: {  	vm1 =	vgt.s32 v2, v3  }
0xea: {  	v2 =	vsel vm1, v2, v3;
	v3 =	vld [tilespmem:s25+$0x9780]  }
0xeb: {  	vm1 =	vgt.s32 v2, v60  }
0xec: {  	v62 =	vld [tilespmem:s25+$0x9A00];
	v2 =	vsel vm1, v2, v60  }
0xed: {  	vm1 =	vgt.s32 v2, v61  }
0xee: {  	v63 =	vld [tilespmem:s25+$0x9C80];
	v2 =	vsel vm1, v2, v61  }
0xef: {  	vm1 =	vgt.s32 v2, v3  }
0xf0: {  	v2 =	vsel vm1, v2, v3  }
0xf1: {  	vm1 =	vgt.s32 v2, v62  }
0xf2: {  	v2 =	vsel vm1, v2, v62  }
0xf3: {  	s1 =	sadd.s32 $0x1, s1;
	vm1 =	vgt.s32 v2, v63  }
0xf4: {  	s0 =	sadd.s32 $0x10, s0;
	p0 =	sne.s32 s1, s23;
	v2 =	vsel vm1, v2, v63  }
.Ltmp3:
0xf5: {  	s30 =	simm.s32 $0x100;
	s31 =	simm.s32 $0x9F00;
	[tilespmem:s0+$0x0] =	vst v2;
	(pc) =	sbr.rel @p0 .LBB2_1-.Ltmp3, $4  }
0xf6: {  	[hbm4b:s22+s28] =	stream.strided.scatter [tilespmem:s31], [sflag:$0x1], $0x280, s30, s28, $0x38;
	[tilespmem:$0xC980] =	vst v63  }
0xf7: {  	_ =	swait.ge [sflag:s24], $0x280  }
0xf8: {  	[sflag:s24] =	ssyncset.done $0x0  }
0xf9: {  	[sflag:s24] =	ssyncadd.s32 $0xFFFFFD80  }
0xfa: {  	_ =	sfence.sel $0x180000  }
0xfb: {  	[bflag:$0x0] =	sbarrier.arrive $0xFFFF  }
0xfc: {  	_ =	strace $0x90000047  }
0xfd: {  	s0 =	stileid.u32;
	[bflag:$0x2] =	sbarrier.arrive $0xFFFF  }
0xfe: {  	p0 =	sne.s32 s0, $0x0;
	s0 =	rddreg [dreg:$0x4]  }
0xff: {  	s0 =	sadd.s32 @!p0 $0x100000, s0  }
0x100: {  	[sflag:s0] =	ssyncadd.tile.s32 @!p0 $0x1;
	_ =	shalt  }
.Lfunc_end2:
_tile_overlayer_lowered:
.L_overlay_start_2:
0x101: {  	(tag) =	ssettag $0x2  }
0x102: {  	s0 =	rddreg [dreg:$0x0];
	s2 =	stileid.u32  }
0x103: {  	s1 =	rddreg [dreg:$0x1];
	p0 =	sne.s32 s2, $0x0  }
0x104: {  	s3 =	rddreg [dreg:$0x2];
	[bflag:$0x3] =	sbarrier.arrive $0xFFFF;
	s2 =	simm.s32 @!p0 $0x1C01  }
0x105: {  	[timem:s3], [sflag:s2] =	dma.local @!p0 [hbm:s0], s1  }
0x106: {  	s0 =	simm.s32 @!p0 $0x1  }
0x107: {  	_ =	swait.ge @!p0 [sflag:s0], s1  }
0x108: {  	s1 =	ssub.s32 @!p0 $0x0, s1;
	[sflag:s0] =	ssyncset.done @!p0 $0x0  }
0x109: {  	[sflag:s0] =	ssyncadd.s32 @!p0 s1  }
0x10a: {  	[bflag:$0x3] =	sbarrier.arrive $0xFFFF  }
0x10b: {  	_ =	shalt  }

</sc_bundles>
